<compile_context>
chip_gen: v7x
topology: tpu7x:2x2x1
jax: 0.10.2.dev20260603
libtpu: 0.0.44.dev20260713+nightly
codegen_flags: <defaults>
</compile_context>

<pallas_src>
import jax
import jax.numpy as jnp
from jax import lax
from jax.experimental import pallas as pl
from jax.experimental.pallas import tpu as pltpu
from jax.experimental.pallas import tpu_sc as plsc

EMBED = 64
SEQ = 7
NC = 2
NS = 16
NW = NC * NS
CHUNK = 128
NBUF = 4
LANES = 16


def _emb_body(idx_hbm, pos_hbm, table_hbm, out_hbm,
              idx_v, pos_v, b0, b1, b2, b3,
              g0, g1, g2, g3, o0, o1, o2, o3):
    wid = lax.axis_index("s") * NC + lax.axis_index("c")
    nchunk = idx_hbm.shape[1]
    batch = out_hbm.shape[1]
    base = wid * nchunk * CHUNK
    bufs = [b0, b1, b2, b3]
    gsems = [g0, g1, g2, g3]
    osems = [o0, o1, o2, o3]

    pltpu.sync_copy(idx_hbm.at[wid], idx_v)
    pltpu.sync_copy(pos_hbm, pos_v)

    def gather_cp(c, b):
        return pltpu.make_async_copy(table_hbm.at[idx_v.at[c]], bufs[b], gsems[b])

    def out_cp(c, b):
        f0 = base + c * CHUNK
        dst = out_hbm.at[f0 // batch, pl.ds(f0 % batch, CHUNK)]
        return pltpu.make_async_copy(bufs[b], dst, osems[b])

    def add_pos(c, b):
        buf = bufs[b]
        s = (base + c * CHUNK) // batch
        pos_regs = [pos_v[s, pl.ds(v * LANES, LANES)] for v in range(EMBED // LANES)]

        def add_body(r, inner):
            for v in range(EMBED // LANES):
                sl = pl.ds(v * LANES, LANES)
                buf[r, sl] = buf[r, sl] + pos_regs[v]
            return inner

        lax.fori_loop(0, CHUNK, add_body, 0)

    gather_cp(0, 0).start()
    gather_cp(1, 1).start()

    def loop_body(g, carry):
        for b in range(NBUF):
            c = NBUF * g + b
            gather_cp(c, b).wait()
            add_pos(c, b)
            out_cp(c, b).start()
            b2_ = (b + 2) % NBUF

            @pl.when(c >= 2)
            def _():
                out_cp(c - 2, b2_).wait()

            @pl.when(c + 2 < NBUF * num_iters)
            def _():
                gather_cp(c + 2, b2_).start()
        return carry

    num_iters = nchunk // NBUF
    lax.fori_loop(0, num_iters, loop_body, 0)

    out_cp(nchunk - 2, (nchunk - 2) % NBUF).wait()
    out_cp(nchunk - 1, (nchunk - 1) % NBUF).wait()


@jax.jit
def kernel(x, token_table, pos_table):
    batch, seq = x.shape
    total = batch * seq
    nchunk = total // (NW * CHUNK)
    idx = x.astype(jnp.int32).T.reshape(NW, nchunk, CHUNK)

    mesh = plsc.VectorSubcoreMesh(core_axis_name="c", subcore_axis_name="s")
    emb = pl.kernel(
        _emb_body,
        mesh=mesh,
        compiler_params=pltpu.CompilerParams(use_tc_tiling_on_sc=False),
        out_type=jax.ShapeDtypeStruct((seq, batch, EMBED), jnp.float32),
        scratch_types=[
            pltpu.VMEM((nchunk, CHUNK), jnp.int32),
            pltpu.VMEM((SEQ, EMBED), jnp.float32),
        ] + [pltpu.VMEM((CHUNK, EMBED), jnp.float32)] * NBUF
          + [pltpu.SemaphoreType.DMA] * (2 * NBUF),
    )
    out = emb(idx, pos_table, token_table)
    return out.transpose(1, 0, 2)

# --- scband reference (transcript-rebuilt; emitter-appended) ---
"""Pipeline reference for scband-custom-embedding-5995774345224 (READ-ONLY COPY).

The authoritative reference and input builder live on the scoring server;
editing this copy changes nothing except your own understanding.
"""

import jax, jax.numpy as jnp
import numpy as np

VOCAB = 1000000
EMBED = 64
MAXPOS = 7
BATCH = 16384
SEQ = 7

def setup_inputs(seed: int = 0) -> dict:
    key = jax.random.key(seed)
    k1, k2, k3 = jax.random.split(key, 3)
    x = jax.random.randint(k1, (BATCH, SEQ), 0, VOCAB, dtype=jnp.int64 if jax.config.jax_enable_x64 else jnp.int32)
    token_table = jax.random.normal(k2, (VOCAB, EMBED), dtype=jnp.float32) * 0.02
    pos_table = jax.random.normal(k3, (MAXPOS, EMBED), dtype=jnp.float32) * 0.02
    return {"x": x, "token_table": token_table, "pos_table": pos_table}

def reference(x, token_table, pos_table):
    maxlen = x.shape[1]
    positions = jnp.arange(0, maxlen)
    pos = jnp.take(pos_table, positions, axis=0)  # [S, D]
    tok = jnp.take(token_table, x, axis=0)        # [B, S, D]
    return tok + pos[None, :, :]

if __name__ == "__main__":
    import jax
    _d = setup_inputs()
    print(jax.jit(kernel)(*tuple(_d.values())))

</pallas_src>

<mosaic_0001>
#map = affine_map<(d0, d1) -> (0, 0, 0)>
#map1 = affine_map<(d0, d1) -> (0, 0)>
module attributes {stable_mosaic.version = 14 : i64} {
  func.func @_emb_body(%arg0: i32, %arg1: i32, %arg2: memref<32x28x128xi32, #tpu.memory_space<hbm>>, %arg3: memref<7x64xf32, #tpu.memory_space<hbm>>, %arg4: memref<1000000x64xf32, #tpu.memory_space<hbm>>, %arg5: memref<7x16384x64xf32, #tpu.memory_space<hbm>>, %arg6: memref<28x128xi32, #tpu.memory_space<vmem>>, %arg7: memref<7x64xf32, #tpu.memory_space<vmem>>, %arg8: memref<128x64xf32, #tpu.memory_space<vmem>>, %arg9: memref<128x64xf32, #tpu.memory_space<vmem>>, %arg10: memref<128x64xf32, #tpu.memory_space<vmem>>, %arg11: memref<128x64xf32, #tpu.memory_space<vmem>>, %arg12: memref<!tpu.dma_semaphore, #tpu.memory_space<semaphore_mem>>, %arg13: memref<!tpu.dma_semaphore, #tpu.memory_space<semaphore_mem>>, %arg14: memref<!tpu.dma_semaphore, #tpu.memory_space<semaphore_mem>>, %arg15: memref<!tpu.dma_semaphore, #tpu.memory_space<semaphore_mem>>, %arg16: memref<!tpu.dma_semaphore, #tpu.memory_space<semaphore_mem>>, %arg17: memref<!tpu.dma_semaphore, #tpu.memory_space<semaphore_mem>>, %arg18: memref<!tpu.dma_semaphore, #tpu.memory_space<semaphore_mem>>, %arg19: memref<!tpu.dma_semaphore, #tpu.memory_space<semaphore_mem>>) attributes {dimension_semantics = [#tpu.dimension_semantics<core_parallel>, #tpu.dimension_semantics<subcore_parallel>], iteration_bounds = array<i64: 2, 16>, scalar_prefetch = 0 : i64, scratch_operands = 14 : i64, tpu.core_type = #tpu.core_type<sc_vector_subcore>, window_params = [{transform_indices = #map}, {transform_indices = #map1}, {transform_indices = #map1}, {transform_indices = #map}]} {
    %mul3A = arith.constant 2 : i32
    %mul3A_0 = arith.muli %arg1, %mul3A : i32
    %add3A = arith.addi %mul3A_0, %arg0 : i32
    %mul3A_1 = arith.constant 28 : i32
    %mul3A_2 = arith.muli %add3A, %mul3A_1 : i32
    %mul3A_3 = arith.constant 128 : i32
    %mul3A_4 = arith.muli %mul3A_2, %mul3A_3 : i32
    "tpu.region"() ({
      %run_scoped3A = tpu.sem_alloc : memref<!tpu.dma_semaphore, #tpu.memory_space<semaphore_mem>>
      %dma_start3A_108 = arith.constant 0 : i32
      %dma_start3A_109 = arith.constant 0 : i32
      %dma_start3A_110 = tpu.memref_slice %arg2[%add3A, %dma_start3A_108, %dma_start3A_109] : memref<32x28x128xi32, #tpu.memory_space<hbm>> -> memref<1x28x128xi32, #tpu.memory_space<hbm>>
      %dma_start3A_111 = tpu.memref_squeeze %dma_start3A_110 : memref<1x28x128xi32, #tpu.memory_space<hbm>> -> memref<28x128xi32, #tpu.memory_space<hbm>>
      %dma_start3A_112 = arith.constant 0 : i32
      %dma_start3A_113 = arith.constant 0 : i32
      %dma_start3A_114 = tpu.memref_slice %arg2[%add3A, %dma_start3A_112, %dma_start3A_113] : memref<32x28x128xi32, #tpu.memory_space<hbm>> -> memref<1x28x128xi32, #tpu.memory_space<hbm>>
      %dma_start3A_115 = tpu.memref_squeeze %dma_start3A_114 : memref<1x28x128xi32, #tpu.memory_space<hbm>> -> memref<28x128xi32, #tpu.memory_space<hbm>>
      tpu.enqueue_dma source(%dma_start3A_115 : memref<28x128xi32, #tpu.memory_space<hbm>>) target(%arg6 : memref<28x128xi32, #tpu.memory_space<vmem>>) target_semaphore(%run_scoped3A : memref<!tpu.dma_semaphore, #tpu.memory_space<semaphore_mem>>)
      %dma_wait3A_116 = arith.constant 0 : i32
      %dma_wait3A_117 = arith.constant 0 : i32
      %dma_wait3A_118 = tpu.memref_slice %arg2[%add3A, %dma_wait3A_116, %dma_wait3A_117] : memref<32x28x128xi32, #tpu.memory_space<hbm>> -> memref<1x28x128xi32, #tpu.memory_space<hbm>>
      %dma_wait3A_119 = tpu.memref_squeeze %dma_wait3A_118 : memref<1x28x128xi32, #tpu.memory_space<hbm>> -> memref<28x128xi32, #tpu.memory_space<hbm>>
      %dma_wait3A_120 = arith.constant 0 : i32
      %dma_wait3A_121 = arith.constant 0 : i32
      %dma_wait3A_122 = tpu.memref_slice %arg2[%add3A, %dma_wait3A_120, %dma_wait3A_121] : memref<32x28x128xi32, #tpu.memory_space<hbm>> -> memref<1x28x128xi32, #tpu.memory_space<hbm>>
      %dma_wait3A_123 = tpu.memref_squeeze %dma_wait3A_122 : memref<1x28x128xi32, #tpu.memory_space<hbm>> -> memref<28x128xi32, #tpu.memory_space<hbm>>
      tpu.wait_dma2 semaphore(%run_scoped3A : memref<!tpu.dma_semaphore, #tpu.memory_space<semaphore_mem>>) src(%dma_wait3A_123 : memref<28x128xi32, #tpu.memory_space<hbm>>) dst(%arg6 : memref<28x128xi32, #tpu.memory_space<vmem>>)
      tpu.yield
    }) : () -> ()
    "tpu.region"() ({
      %run_scoped3A = tpu.sem_alloc : memref<!tpu.dma_semaphore, #tpu.memory_space<semaphore_mem>>
      tpu.enqueue_dma source(%arg3 : memref<7x64xf32, #tpu.memory_space<hbm>>) target(%arg7 : memref<7x64xf32, #tpu.memory_space<vmem>>) target_semaphore(%run_scoped3A : memref<!tpu.dma_semaphore, #tpu.memory_space<semaphore_mem>>)
      tpu.wait_dma2 semaphore(%run_scoped3A : memref<!tpu.dma_semaphore, #tpu.memory_space<semaphore_mem>>) src(%arg3 : memref<7x64xf32, #tpu.memory_space<hbm>>) dst(%arg7 : memref<7x64xf32, #tpu.memory_space<vmem>>)
      tpu.yield
    }) : () -> ()
    %dma_start3A = arith.constant 0 : i32
    %dma_start3A_5 = arith.constant 0 : i32
    %dma_start3A_6 = tpu.memref_slice %arg6[%dma_start3A, %dma_start3A_5] : memref<28x128xi32, #tpu.memory_space<vmem>> -> memref<1x128xi32, #tpu.memory_space<vmem>>
    %dma_start3A_7 = tpu.memref_squeeze %dma_start3A_6 : memref<1x128xi32, #tpu.memory_space<vmem>> -> memref<128xi32, #tpu.memory_space<vmem>>
    %dma_start3A_8 = arith.constant 0 : i32
    %dma_start3A_9 = arith.constant 0 : i32
    %dma_start3A_10 = tpu.memref_slice %arg4[%dma_start3A_8, %dma_start3A_9] : memref<1000000x64xf32, #tpu.memory_space<hbm>> -> memref<1000000x64xf32, #tpu.memory_space<hbm>>
    tpu.enqueue_indirect_dma source(%dma_start3A_10 : memref<1000000x64xf32, #tpu.memory_space<hbm>>) target(%arg8 : memref<128x64xf32, #tpu.memory_space<vmem>>) offsets(%dma_start3A_7 : memref<128xi32, #tpu.memory_space<vmem>>) semaphore(%arg12 : memref<!tpu.dma_semaphore, #tpu.memory_space<semaphore_mem>>)
    %dma_start3A_11 = arith.constant 1 : i32
    %dma_start3A_12 = arith.constant 0 : i32
    %dma_start3A_13 = tpu.memref_slice %arg6[%dma_start3A_11, %dma_start3A_12] : memref<28x128xi32, #tpu.memory_space<vmem>> -> memref<1x128xi32, #tpu.memory_space<vmem>>
    %dma_start3A_14 = tpu.memref_squeeze %dma_start3A_13 : memref<1x128xi32, #tpu.memory_space<vmem>> -> memref<128xi32, #tpu.memory_space<vmem>>
    %dma_start3A_15 = arith.constant 0 : i32
    %dma_start3A_16 = arith.constant 0 : i32
    %dma_start3A_17 = tpu.memref_slice %arg4[%dma_start3A_15, %dma_start3A_16] : memref<1000000x64xf32, #tpu.memory_space<hbm>> -> memref<1000000x64xf32, #tpu.memory_space<hbm>>
    tpu.enqueue_indirect_dma source(%dma_start3A_17 : memref<1000000x64xf32, #tpu.memory_space<hbm>>) target(%arg9 : memref<128x64xf32, #tpu.memory_space<vmem>>) offsets(%dma_start3A_14 : memref<128xi32, #tpu.memory_space<vmem>>) semaphore(%arg13 : memref<!tpu.dma_semaphore, #tpu.memory_space<semaphore_mem>>)
    %scan3A = arith.constant 0 : i32
    %scan3A_18 = arith.constant 0 : i32
    %scan3A_19 = arith.constant 7 : i32
    %scan3A_20 = arith.addi %scan3A_18, %scan3A_19 : i32
    %scan3A_21 = arith.constant 1 : i32
    scf.for %scan3A_108 = %scan3A_18 to %scan3A_20 step %scan3A_21  : i32 {
      %mul3A_109 = arith.constant 4 : i32
      %mul3A_110 = arith.muli %mul3A_109, %scan3A_108 : i32
      %add3A_111 = arith.constant 0 : i32
      %add3A_112 = arith.addi %mul3A_110, %add3A_111 : i32
      %dma_wait3A_113 = arith.constant 0 : i32
      %dma_wait3A_114 = tpu.memref_slice %arg6[%add3A_112, %dma_wait3A_113] : memref<28x128xi32, #tpu.memory_space<vmem>> -> memref<1x128xi32, #tpu.memory_space<vmem>>
      %dma_wait3A_115 = tpu.memref_squeeze %dma_wait3A_114 : memref<1x128xi32, #tpu.memory_space<vmem>> -> memref<128xi32, #tpu.memory_space<vmem>>
      %dma_wait3A_116 = arith.constant 0 : i32
      %dma_wait3A_117 = arith.constant 0 : i32
      %dma_wait3A_118 = tpu.memref_slice %arg4[%dma_wait3A_116, %dma_wait3A_117] : memref<1000000x64xf32, #tpu.memory_space<hbm>> -> memref<1000000x64xf32, #tpu.memory_space<hbm>>
      tpu.wait_indirect_dma semaphore(%arg12 : memref<!tpu.dma_semaphore, #tpu.memory_space<semaphore_mem>>) src(%dma_wait3A_118 : memref<1000000x64xf32, #tpu.memory_space<hbm>>) dst(%arg8 : memref<128x64xf32, #tpu.memory_space<vmem>>)
      %mul3A_119 = arith.constant 128 : i32
      %mul3A_120 = arith.muli %add3A_112, %mul3A_119 : i32
      %add3A_121 = arith.addi %mul3A_4, %mul3A_120 : i32
      %jit3A_122 = arith.constant 16384 : i32
      %div3A_123 = arith.divsi %add3A_121, %jit3A_122 : i32
      %sign3A_124 = arith.constant 0 : i32
      %sign3A_125 = arith.cmpi sgt, %add3A_121, %sign3A_124 : i32
      %sign3A_126 = arith.extui %sign3A_125 : i1 to i32
      %sign3A_127 = arith.constant 0 : i32
      %sign3A_128 = arith.cmpi slt, %add3A_121, %sign3A_127 : i32
      %sign3A_129 = arith.extui %sign3A_128 : i1 to i32
      %sign3A_130 = arith.subi %sign3A_126, %sign3A_129 : i32
      %sign3A_131 = arith.constant 0 : i32
      %sign3A_132 = arith.cmpi sgt, %jit3A_122, %sign3A_131 : i32
      %sign3A_133 = arith.extui %sign3A_132 : i1 to i32
      %sign3A_134 = arith.constant 0 : i32
      %sign3A_135 = arith.cmpi slt, %jit3A_122, %sign3A_134 : i32
      %sign3A_136 = arith.extui %sign3A_135 : i1 to i32
      %sign3A_137 = arith.subi %sign3A_133, %sign3A_136 : i32
      %ne3A_138 = arith.cmpi ne, %sign3A_130, %sign3A_137 : i32
      %rem3A_139 = arith.remsi %add3A_121, %jit3A_122 : i32
      %ne3A_140 = arith.constant 0 : i32
      %ne3A_141 = arith.cmpi ne, %rem3A_139, %ne3A_140 : i32
      %and3A_142 = arith.andi %ne3A_138, %ne3A_141 : i1
      %sub3A_143 = arith.constant 1 : i32
      %sub3A_144 = arith.subi %div3A_123, %sub3A_143 : i32
      %select_n3A_145 = arith.select %and3A_142, %sub3A_144, %div3A_123 : i32
      %get3A = arith.index_cast %select_n3A_145 : i32 to index
      %get3A_146 = arith.constant 0 : index
      %get3A_147 = tpu.vector_load %arg7[%get3A, %get3A_146] {strides = array<i32>} : memref<7x64xf32, #tpu.memory_space<vmem>>, vector<1x16xf32>,
      %get3A_148 = vector.shape_cast %get3A_147 : vector<1x16xf32> to vector<16xf32>
      %get3A_149 = arith.index_cast %select_n3A_145 : i32 to index
      %get3A_150 = arith.constant 16 : index
      %get3A_151 = tpu.vector_load %arg7[%get3A_149, %get3A_150] {strides = array<i32>} : memref<7x64xf32, #tpu.memory_space<vmem>>, vector<1x16xf32>,
      %get3A_152 = vector.shape_cast %get3A_151 : vector<1x16xf32> to vector<16xf32>
      %get3A_153 = arith.index_cast %select_n3A_145 : i32 to index
      %get3A_154 = arith.constant 32 : index
      %get3A_155 = tpu.vector_load %arg7[%get3A_153, %get3A_154] {strides = array<i32>} : memref<7x64xf32, #tpu.memory_space<vmem>>, vector<1x16xf32>,
      %get3A_156 = vector.shape_cast %get3A_155 : vector<1x16xf32> to vector<16xf32>
      %get3A_157 = arith.index_cast %select_n3A_145 : i32 to index
      %get3A_158 = arith.constant 48 : index
      %get3A_159 = tpu.vector_load %arg7[%get3A_157, %get3A_158] {strides = array<i32>} : memref<7x64xf32, #tpu.memory_space<vmem>>, vector<1x16xf32>,
      %get3A_160 = vector.shape_cast %get3A_159 : vector<1x16xf32> to vector<16xf32>
      %scan3A_161 = arith.constant 0 : i32
      %scan3A_162 = arith.constant 0 : i32
      %scan3A_163 = arith.constant 128 : i32
      %scan3A_164 = arith.addi %scan3A_162, %scan3A_163 : i32
      %scan3A_165 = arith.constant 1 : i32
      scf.for %scan3A_585 = %scan3A_162 to %scan3A_164 step %scan3A_165  : i32 {
        %get3A_586 = arith.index_cast %scan3A_585 : i32 to index
        %get3A_587 = arith.constant 0 : index
        %get3A_588 = tpu.vector_load %arg8[%get3A_586, %get3A_587] {strides = array<i32>} : memref<128x64xf32, #tpu.memory_space<vmem>>, vector<1x16xf32>,
        %get3A_589 = vector.shape_cast %get3A_588 : vector<1x16xf32> to vector<16xf32>
        %add3A_590 = arith.addf %get3A_589, %get3A_148 : vector<16xf32>
        %swap3A = arith.index_cast %scan3A_585 : i32 to index
        %swap3A_591 = arith.constant 0 : index
        %swap3A_592 = tpu.vector_load %arg8[%swap3A, %swap3A_591] {strides = array<i32>} : memref<128x64xf32, #tpu.memory_space<vmem>>, vector<1x16xf32>,
        %swap3A_593 = vector.shape_cast %swap3A_592 : vector<1x16xf32> to vector<16xf32>
        %swap3A_594 = vector.shape_cast %add3A_590 : vector<16xf32> to vector<1x16xf32>
        tpu.vector_store %arg8[%swap3A, %swap3A_591], %swap3A_594 {strides = array<i32>} : memref<128x64xf32, #tpu.memory_space<vmem>>, vector<1x16xf32>,
        %get3A_595 = arith.index_cast %scan3A_585 : i32 to index
        %get3A_596 = arith.constant 16 : index
        %get3A_597 = tpu.vector_load %arg8[%get3A_595, %get3A_596] {strides = array<i32>} : memref<128x64xf32, #tpu.memory_space<vmem>>, vector<1x16xf32>,
        %get3A_598 = vector.shape_cast %get3A_597 : vector<1x16xf32> to vector<16xf32>
        %add3A_599 = arith.addf %get3A_598, %get3A_152 : vector<16xf32>
        %swap3A_600 = arith.index_cast %scan3A_585 : i32 to index
        %swap3A_601 = arith.constant 16 : index
        %swap3A_602 = tpu.vector_load %arg8[%swap3A_600, %swap3A_601] {strides = array<i32>} : memref<128x64xf32, #tpu.memory_space<vmem>>, vector<1x16xf32>,
        %swap3A_603 = vector.shape_cast %swap3A_602 : vector<1x16xf32> to vector<16xf32>
        %swap3A_604 = vector.shape_cast %add3A_599 : vector<16xf32> to vector<1x16xf32>
        tpu.vector_store %arg8[%swap3A_600, %swap3A_601], %swap3A_604 {strides = array<i32>} : memref<128x64xf32, #tpu.memory_space<vmem>>, vector<1x16xf32>,
        %get3A_605 = arith.index_cast %scan3A_585 : i32 to index
        %get3A_606 = arith.constant 32 : index
        %get3A_607 = tpu.vector_load %arg8[%get3A_605, %get3A_606] {strides = array<i32>} : memref<128x64xf32, #tpu.memory_space<vmem>>, vector<1x16xf32>,
        %get3A_608 = vector.shape_cast %get3A_607 : vector<1x16xf32> to vector<16xf32>
        %add3A_609 = arith.addf %get3A_608, %get3A_156 : vector<16xf32>
        %swap3A_610 = arith.index_cast %scan3A_585 : i32 to index
        %swap3A_611 = arith.constant 32 : index
        %swap3A_612 = tpu.vector_load %arg8[%swap3A_610, %swap3A_611] {strides = array<i32>} : memref<128x64xf32, #tpu.memory_space<vmem>>, vector<1x16xf32>,
        %swap3A_613 = vector.shape_cast %swap3A_612 : vector<1x16xf32> to vector<16xf32>
        %swap3A_614 = vector.shape_cast %add3A_609 : vector<16xf32> to vector<1x16xf32>
        tpu.vector_store %arg8[%swap3A_610, %swap3A_611], %swap3A_614 {strides = array<i32>} : memref<128x64xf32, #tpu.memory_space<vmem>>, vector<1x16xf32>,
        %get3A_615 = arith.index_cast %scan3A_585 : i32 to index
        %get3A_616 = arith.constant 48 : index
        %get3A_617 = tpu.vector_load %arg8[%get3A_615, %get3A_616] {strides = array<i32>} : memref<128x64xf32, #tpu.memory_space<vmem>>, vector<1x16xf32>,
        %get3A_618 = vector.shape_cast %get3A_617 : vector<1x16xf32> to vector<16xf32>
        %add3A_619 = arith.addf %get3A_618, %get3A_160 : vector<16xf32>
        %swap3A_620 = arith.index_cast %scan3A_585 : i32 to index
        %swap3A_621 = arith.constant 48 : index
        %swap3A_622 = tpu.vector_load %arg8[%swap3A_620, %swap3A_621] {strides = array<i32>} : memref<128x64xf32, #tpu.memory_space<vmem>>, vector<1x16xf32>,
        %swap3A_623 = vector.shape_cast %swap3A_622 : vector<1x16xf32> to vector<16xf32>
        %swap3A_624 = vector.shape_cast %add3A_619 : vector<16xf32> to vector<1x16xf32>
        tpu.vector_store %arg8[%swap3A_620, %swap3A_621], %swap3A_624 {strides = array<i32>} : memref<128x64xf32, #tpu.memory_space<vmem>>, vector<1x16xf32>,
      }
      %scan3A_166 = arith.constant 128 : i32
      %mul3A_167 = arith.constant 128 : i32
      %mul3A_168 = arith.muli %add3A_112, %mul3A_167 : i32
      %add3A_169 = arith.addi %mul3A_4, %mul3A_168 : i32
      %jit3A_170 = arith.constant 16384 : i32
      %div3A_171 = arith.divsi %add3A_169, %jit3A_170 : i32
      %sign3A_172 = arith.constant 0 : i32
      %sign3A_173 = arith.cmpi sgt, %add3A_169, %sign3A_172 : i32
      %sign3A_174 = arith.extui %sign3A_173 : i1 to i32
      %sign3A_175 = arith.constant 0 : i32
      %sign3A_176 = arith.cmpi slt, %add3A_169, %sign3A_175 : i32
      %sign3A_177 = arith.extui %sign3A_176 : i1 to i32
      %sign3A_178 = arith.subi %sign3A_174, %sign3A_177 : i32
      %sign3A_179 = arith.constant 0 : i32
      %sign3A_180 = arith.cmpi sgt, %jit3A_170, %sign3A_179 : i32
      %sign3A_181 = arith.extui %sign3A_180 : i1 to i32
      %sign3A_182 = arith.constant 0 : i32
      %sign3A_183 = arith.cmpi slt, %jit3A_170, %sign3A_182 : i32
      %sign3A_184 = arith.extui %sign3A_183 : i1 to i32
      %sign3A_185 = arith.subi %sign3A_181, %sign3A_184 : i32
      %ne3A_186 = arith.cmpi ne, %sign3A_178, %sign3A_185 : i32
      %rem3A_187 = arith.remsi %add3A_169, %jit3A_170 : i32
      %ne3A_188 = arith.constant 0 : i32
      %ne3A_189 = arith.cmpi ne, %rem3A_187, %ne3A_188 : i32
      %and3A_190 = arith.andi %ne3A_186, %ne3A_189 : i1
      %sub3A_191 = arith.constant 1 : i32
      %sub3A_192 = arith.subi %div3A_171, %sub3A_191 : i32
      %select_n3A_193 = arith.select %and3A_190, %sub3A_192, %div3A_171 : i32
      %jit3A_194 = arith.constant 16384 : i32
      %eq3A_195 = arith.constant 0 : i32
      %eq3A_196 = arith.cmpi eq, %jit3A_194, %eq3A_195 : i32
      %jit3A_197 = arith.constant 1 : i32
      %select_n3A_198 = arith.select %eq3A_196, %jit3A_197, %jit3A_194 : i32
      %rem3A_199 = arith.remsi %add3A_169, %select_n3A_198 : i32
      %ne3A_200 = arith.constant 0 : i32
      %ne3A_201 = arith.cmpi ne, %rem3A_199, %ne3A_200 : i32
      %lt3A_202 = arith.constant 0 : i32
      %lt3A_203 = arith.cmpi slt, %rem3A_199, %lt3A_202 : i32
      %lt3A_204 = arith.constant 0 : i32
      %lt3A_205 = arith.cmpi slt, %select_n3A_198, %lt3A_204 : i32
      %ne3A_206 = arith.xori %lt3A_203, %lt3A_205 : i1
      %and3A_207 = arith.andi %ne3A_206, %ne3A_201 : i1
      %add3A_208 = arith.addi %rem3A_199, %select_n3A_198 : i32
      %select_n3A_209 = arith.select %and3A_207, %add3A_208, %rem3A_199 : i32
      %dma_start3A_210 = arith.constant 0 : i32
      %dma_start3A_211 = tpu.memref_slice %arg5[%select_n3A_193, %select_n3A_209, %dma_start3A_210] : memref<7x16384x64xf32, #tpu.memory_space<hbm>> -> memref<1x128x64xf32, #tpu.memory_space<hbm>>
      %dma_start3A_212 = tpu.memref_squeeze %dma_start3A_211 : memref<1x128x64xf32, #tpu.memory_space<hbm>> -> memref<128x64xf32, #tpu.memory_space<hbm>>
      %dma_start3A_213 = arith.constant 0 : i32
      %dma_start3A_214 = tpu.memref_slice %arg5[%select_n3A_193, %select_n3A_209, %dma_start3A_213] : memref<7x16384x64xf32, #tpu.memory_space<hbm>> -> memref<1x128x64xf32, #tpu.memory_space<hbm>>
      %dma_start3A_215 = tpu.memref_squeeze %dma_start3A_214 : memref<1x128x64xf32, #tpu.memory_space<hbm>> -> memref<128x64xf32, #tpu.memory_space<hbm>>
      tpu.enqueue_dma source(%arg8 : memref<128x64xf32, #tpu.memory_space<vmem>>) target(%dma_start3A_215 : memref<128x64xf32, #tpu.memory_space<hbm>>) target_semaphore(%arg16 : memref<!tpu.dma_semaphore, #tpu.memory_space<semaphore_mem>>)
      %ge3A = arith.constant 2 : i32
      %ge3A_216 = arith.cmpi sge, %add3A_112, %ge3A : i32
      %convert_element_type3A = arith.extui %ge3A_216 : i1 to i32
      %cond3A = arith.constant 0 : i32
      %cond3A_217 = arith.cmpi ne, %convert_element_type3A, %cond3A : i32
      scf.if %cond3A_217 {
        %sub3A_585 = arith.constant 2 : i32
        %sub3A_586 = arith.subi %add3A_112, %sub3A_585 : i32
        %mul3A_587 = arith.constant 128 : i32
        %mul3A_588 = arith.muli %sub3A_586, %mul3A_587 : i32
        %add3A_589 = arith.addi %mul3A_4, %mul3A_588 : i32
        %jit3A_590 = arith.constant 16384 : i32
        %div3A_591 = arith.divsi %add3A_589, %jit3A_590 : i32
        %sign3A_592 = arith.constant 0 : i32
        %sign3A_593 = arith.cmpi sgt, %add3A_589, %sign3A_592 : i32
        %sign3A_594 = arith.extui %sign3A_593 : i1 to i32
        %sign3A_595 = arith.constant 0 : i32
        %sign3A_596 = arith.cmpi slt, %add3A_589, %sign3A_595 : i32
        %sign3A_597 = arith.extui %sign3A_596 : i1 to i32
        %sign3A_598 = arith.subi %sign3A_594, %sign3A_597 : i32
        %sign3A_599 = arith.constant 0 : i32
        %sign3A_600 = arith.cmpi sgt, %jit3A_590, %sign3A_599 : i32
        %sign3A_601 = arith.extui %sign3A_600 : i1 to i32
        %sign3A_602 = arith.constant 0 : i32
        %sign3A_603 = arith.cmpi slt, %jit3A_590, %sign3A_602 : i32
        %sign3A_604 = arith.extui %sign3A_603 : i1 to i32
        %sign3A_605 = arith.subi %sign3A_601, %sign3A_604 : i32
        %ne3A_606 = arith.cmpi ne, %sign3A_598, %sign3A_605 : i32
        %rem3A_607 = arith.remsi %add3A_589, %jit3A_590 : i32
        %ne3A_608 = arith.constant 0 : i32
        %ne3A_609 = arith.cmpi ne, %rem3A_607, %ne3A_608 : i32
        %and3A_610 = arith.andi %ne3A_606, %ne3A_609 : i1
        %sub3A_611 = arith.constant 1 : i32
        %sub3A_612 = arith.subi %div3A_591, %sub3A_611 : i32
        %select_n3A_613 = arith.select %and3A_610, %sub3A_612, %div3A_591 : i32
        %jit3A_614 = arith.constant 16384 : i32
        %eq3A_615 = arith.constant 0 : i32
        %eq3A_616 = arith.cmpi eq, %jit3A_614, %eq3A_615 : i32
        %jit3A_617 = arith.constant 1 : i32
        %select_n3A_618 = arith.select %eq3A_616, %jit3A_617, %jit3A_614 : i32
        %rem3A_619 = arith.remsi %add3A_589, %select_n3A_618 : i32
        %ne3A_620 = arith.constant 0 : i32
        %ne3A_621 = arith.cmpi ne, %rem3A_619, %ne3A_620 : i32
        %lt3A_622 = arith.constant 0 : i32
        %lt3A_623 = arith.cmpi slt, %rem3A_619, %lt3A_622 : i32
        %lt3A_624 = arith.constant 0 : i32
        %lt3A_625 = arith.cmpi slt, %select_n3A_618, %lt3A_624 : i32
        %ne3A_626 = arith.xori %lt3A_623, %lt3A_625 : i1
        %and3A_627 = arith.andi %ne3A_626, %ne3A_621 : i1
        %add3A_628 = arith.addi %rem3A_619, %select_n3A_618 : i32
        %select_n3A_629 = arith.select %and3A_627, %add3A_628, %rem3A_619 : i32
        %dma_wait3A_630 = arith.constant 0 : i32
        %dma_wait3A_631 = tpu.memref_slice %arg5[%select_n3A_613, %select_n3A_629, %dma_wait3A_630] : memref<7x16384x64xf32, #tpu.memory_space<hbm>> -> memref<1x128x64xf32, #tpu.memory_space<hbm>>
        %dma_wait3A_632 = tpu.memref_squeeze %dma_wait3A_631 : memref<1x128x64xf32, #tpu.memory_space<hbm>> -> memref<128x64xf32, #tpu.memory_space<hbm>>
        %dma_wait3A_633 = arith.constant 0 : i32
        %dma_wait3A_634 = tpu.memref_slice %arg5[%select_n3A_613, %select_n3A_629, %dma_wait3A_633] : memref<7x16384x64xf32, #tpu.memory_space<hbm>> -> memref<1x128x64xf32, #tpu.memory_space<hbm>>
        %dma_wait3A_635 = tpu.memref_squeeze %dma_wait3A_634 : memref<1x128x64xf32, #tpu.memory_space<hbm>> -> memref<128x64xf32, #tpu.memory_space<hbm>>
        tpu.wait_dma2 semaphore(%arg18 : memref<!tpu.dma_semaphore, #tpu.memory_space<semaphore_mem>>) src(%arg10 : memref<128x64xf32, #tpu.memory_space<vmem>>) dst(%dma_wait3A_635 : memref<128x64xf32, #tpu.memory_space<hbm>>)
      } else {
      }
      %add3A_218 = arith.constant 2 : i32
      %add3A_219 = arith.addi %add3A_112, %add3A_218 : i32
      %lt3A_220 = arith.constant 28 : i32
      %lt3A_221 = arith.cmpi slt, %add3A_219, %lt3A_220 : i32
      %convert_element_type3A_222 = arith.extui %lt3A_221 : i1 to i32
      %cond3A_223 = arith.constant 0 : i32
      %cond3A_224 = arith.cmpi ne, %convert_element_type3A_222, %cond3A_223 : i32
      scf.if %cond3A_224 {
        %add3A_585 = arith.constant 2 : i32
        %add3A_586 = arith.addi %add3A_112, %add3A_585 : i32
        %dma_start3A_587 = arith.constant 0 : i32
        %dma_start3A_588 = tpu.memref_slice %arg6[%add3A_586, %dma_start3A_587] : memref<28x128xi32, #tpu.memory_space<vmem>> -> memref<1x128xi32, #tpu.memory_space<vmem>>
        %dma_start3A_589 = tpu.memref_squeeze %dma_start3A_588 : memref<1x128xi32, #tpu.memory_space<vmem>> -> memref<128xi32, #tpu.memory_space<vmem>>
        %dma_start3A_590 = arith.constant 0 : i32
        %dma_start3A_591 = arith.constant 0 : i32
        %dma_start3A_592 = tpu.memref_slice %arg4[%dma_start3A_590, %dma_start3A_591] : memref<1000000x64xf32, #tpu.memory_space<hbm>> -> memref<1000000x64xf32, #tpu.memory_space<hbm>>
        tpu.enqueue_indirect_dma source(%dma_start3A_592 : memref<1000000x64xf32, #tpu.memory_space<hbm>>) target(%arg10 : memref<128x64xf32, #tpu.memory_space<vmem>>) offsets(%dma_start3A_589 : memref<128xi32, #tpu.memory_space<vmem>>) semaphore(%arg14 : memref<!tpu.dma_semaphore, #tpu.memory_space<semaphore_mem>>)
      } else {
      }
      %mul3A_225 = arith.constant 4 : i32
      %mul3A_226 = arith.muli %mul3A_225, %scan3A_108 : i32
      %add3A_227 = arith.constant 1 : i32
      %add3A_228 = arith.addi %mul3A_226, %add3A_227 : i32
      %dma_wait3A_229 = arith.constant 0 : i32
      %dma_wait3A_230 = tpu.memref_slice %arg6[%add3A_228, %dma_wait3A_229] : memref<28x128xi32, #tpu.memory_space<vmem>> -> memref<1x128xi32, #tpu.memory_space<vmem>>
      %dma_wait3A_231 = tpu.memref_squeeze %dma_wait3A_230 : memref<1x128xi32, #tpu.memory_space<vmem>> -> memref<128xi32, #tpu.memory_space<vmem>>
      %dma_wait3A_232 = arith.constant 0 : i32
      %dma_wait3A_233 = arith.constant 0 : i32
      %dma_wait3A_234 = tpu.memref_slice %arg4[%dma_wait3A_232, %dma_wait3A_233] : memref<1000000x64xf32, #tpu.memory_space<hbm>> -> memref<1000000x64xf32, #tpu.memory_space<hbm>>
      tpu.wait_indirect_dma semaphore(%arg13 : memref<!tpu.dma_semaphore, #tpu.memory_space<semaphore_mem>>) src(%dma_wait3A_234 : memref<1000000x64xf32, #tpu.memory_space<hbm>>) dst(%arg9 : memref<128x64xf32, #tpu.memory_space<vmem>>)
      %mul3A_235 = arith.constant 128 : i32
      %mul3A_236 = arith.muli %add3A_228, %mul3A_235 : i32
      %add3A_237 = arith.addi %mul3A_4, %mul3A_236 : i32
      %jit3A_238 = arith.constant 16384 : i32
      %div3A_239 = arith.divsi %add3A_237, %jit3A_238 : i32
      %sign3A_240 = arith.constant 0 : i32
      %sign3A_241 = arith.cmpi sgt, %add3A_237, %sign3A_240 : i32
      %sign3A_242 = arith.extui %sign3A_241 : i1 to i32
      %sign3A_243 = arith.constant 0 : i32
      %sign3A_244 = arith.cmpi slt, %add3A_237, %sign3A_243 : i32
      %sign3A_245 = arith.extui %sign3A_244 : i1 to i32
      %sign3A_246 = arith.subi %sign3A_242, %sign3A_245 : i32
      %sign3A_247 = arith.constant 0 : i32
      %sign3A_248 = arith.cmpi sgt, %jit3A_238, %sign3A_247 : i32
      %sign3A_249 = arith.extui %sign3A_248 : i1 to i32
      %sign3A_250 = arith.constant 0 : i32
      %sign3A_251 = arith.cmpi slt, %jit3A_238, %sign3A_250 : i32
      %sign3A_252 = arith.extui %sign3A_251 : i1 to i32
      %sign3A_253 = arith.subi %sign3A_249, %sign3A_252 : i32
      %ne3A_254 = arith.cmpi ne, %sign3A_246, %sign3A_253 : i32
      %rem3A_255 = arith.remsi %add3A_237, %jit3A_238 : i32
      %ne3A_256 = arith.constant 0 : i32
      %ne3A_257 = arith.cmpi ne, %rem3A_255, %ne3A_256 : i32
      %and3A_258 = arith.andi %ne3A_254, %ne3A_257 : i1
      %sub3A_259 = arith.constant 1 : i32
      %sub3A_260 = arith.subi %div3A_239, %sub3A_259 : i32
      %select_n3A_261 = arith.select %and3A_258, %sub3A_260, %div3A_239 : i32
      %get3A_262 = arith.index_cast %select_n3A_261 : i32 to index
      %get3A_263 = arith.constant 0 : index
      %get3A_264 = tpu.vector_load %arg7[%get3A_262, %get3A_263] {strides = array<i32>} : memref<7x64xf32, #tpu.memory_space<vmem>>, vector<1x16xf32>,
      %get3A_265 = vector.shape_cast %get3A_264 : vector<1x16xf32> to vector<16xf32>
      %get3A_266 = arith.index_cast %select_n3A_261 : i32 to index
      %get3A_267 = arith.constant 16 : index
      %get3A_268 = tpu.vector_load %arg7[%get3A_266, %get3A_267] {strides = array<i32>} : memref<7x64xf32, #tpu.memory_space<vmem>>, vector<1x16xf32>,
      %get3A_269 = vector.shape_cast %get3A_268 : vector<1x16xf32> to vector<16xf32>
      %get3A_270 = arith.index_cast %select_n3A_261 : i32 to index
      %get3A_271 = arith.constant 32 : index
      %get3A_272 = tpu.vector_load %arg7[%get3A_270, %get3A_271] {strides = array<i32>} : memref<7x64xf32, #tpu.memory_space<vmem>>, vector<1x16xf32>,
      %get3A_273 = vector.shape_cast %get3A_272 : vector<1x16xf32> to vector<16xf32>
      %get3A_274 = arith.index_cast %select_n3A_261 : i32 to index
      %get3A_275 = arith.constant 48 : index
      %get3A_276 = tpu.vector_load %arg7[%get3A_274, %get3A_275] {strides = array<i32>} : memref<7x64xf32, #tpu.memory_space<vmem>>, vector<1x16xf32>,
      %get3A_277 = vector.shape_cast %get3A_276 : vector<1x16xf32> to vector<16xf32>
      %scan3A_278 = arith.constant 0 : i32
      %scan3A_279 = arith.constant 0 : i32
      %scan3A_280 = arith.constant 128 : i32
      %scan3A_281 = arith.addi %scan3A_279, %scan3A_280 : i32
      %scan3A_282 = arith.constant 1 : i32
      scf.for %scan3A_585 = %scan3A_279 to %scan3A_281 step %scan3A_282  : i32 {
        %get3A_586 = arith.index_cast %scan3A_585 : i32 to index
        %get3A_587 = arith.constant 0 : index
        %get3A_588 = tpu.vector_load %arg9[%get3A_586, %get3A_587] {strides = array<i32>} : memref<128x64xf32, #tpu.memory_space<vmem>>, vector<1x16xf32>,
        %get3A_589 = vector.shape_cast %get3A_588 : vector<1x16xf32> to vector<16xf32>
        %add3A_590 = arith.addf %get3A_589, %get3A_265 : vector<16xf32>
        %swap3A = arith.index_cast %scan3A_585 : i32 to index
        %swap3A_591 = arith.constant 0 : index
        %swap3A_592 = tpu.vector_load %arg9[%swap3A, %swap3A_591] {strides = array<i32>} : memref<128x64xf32, #tpu.memory_space<vmem>>, vector<1x16xf32>,
        %swap3A_593 = vector.shape_cast %swap3A_592 : vector<1x16xf32> to vector<16xf32>
        %swap3A_594 = vector.shape_cast %add3A_590 : vector<16xf32> to vector<1x16xf32>
        tpu.vector_store %arg9[%swap3A, %swap3A_591], %swap3A_594 {strides = array<i32>} : memref<128x64xf32, #tpu.memory_space<vmem>>, vector<1x16xf32>,
        %get3A_595 = arith.index_cast %scan3A_585 : i32 to index
        %get3A_596 = arith.constant 16 : index
        %get3A_597 = tpu.vector_load %arg9[%get3A_595, %get3A_596] {strides = array<i32>} : memref<128x64xf32, #tpu.memory_space<vmem>>, vector<1x16xf32>,
        %get3A_598 = vector.shape_cast %get3A_597 : vector<1x16xf32> to vector<16xf32>
        %add3A_599 = arith.addf %get3A_598, %get3A_269 : vector<16xf32>
        %swap3A_600 = arith.index_cast %scan3A_585 : i32 to index
        %swap3A_601 = arith.constant 16 : index
        %swap3A_602 = tpu.vector_load %arg9[%swap3A_600, %swap3A_601] {strides = array<i32>} : memref<128x64xf32, #tpu.memory_space<vmem>>, vector<1x16xf32>,
        %swap3A_603 = vector.shape_cast %swap3A_602 : vector<1x16xf32> to vector<16xf32>
        %swap3A_604 = vector.shape_cast %add3A_599 : vector<16xf32> to vector<1x16xf32>
        tpu.vector_store %arg9[%swap3A_600, %swap3A_601], %swap3A_604 {strides = array<i32>} : memref<128x64xf32, #tpu.memory_space<vmem>>, vector<1x16xf32>,
        %get3A_605 = arith.index_cast %scan3A_585 : i32 to index
        %get3A_606 = arith.constant 32 : index
        %get3A_607 = tpu.vector_load %arg9[%get3A_605, %get3A_606] {strides = array<i32>} : memref<128x64xf32, #tpu.memory_space<vmem>>, vector<1x16xf32>,
        %get3A_608 = vector.shape_cast %get3A_607 : vector<1x16xf32> to vector<16xf32>
        %add3A_609 = arith.addf %get3A_608, %get3A_273 : vector<16xf32>
        %swap3A_610 = arith.index_cast %scan3A_585 : i32 to index
        %swap3A_611 = arith.constant 32 : index
        %swap3A_612 = tpu.vector_load %arg9[%swap3A_610, %swap3A_611] {strides = array<i32>} : memref<128x64xf32, #tpu.memory_space<vmem>>, vector<1x16xf32>,
        %swap3A_613 = vector.shape_cast %swap3A_612 : vector<1x16xf32> to vector<16xf32>
        %swap3A_614 = vector.shape_cast %add3A_609 : vector<16xf32> to vector<1x16xf32>
        tpu.vector_store %arg9[%swap3A_610, %swap3A_611], %swap3A_614 {strides = array<i32>} : memref<128x64xf32, #tpu.memory_space<vmem>>, vector<1x16xf32>,
        %get3A_615 = arith.index_cast %scan3A_585 : i32 to index
        %get3A_616 = arith.constant 48 : index
        %get3A_617 = tpu.vector_load %arg9[%get3A_615, %get3A_616] {strides = array<i32>} : memref<128x64xf32, #tpu.memory_space<vmem>>, vector<1x16xf32>,
        %get3A_618 = vector.shape_cast %get3A_617 : vector<1x16xf32> to vector<16xf32>
        %add3A_619 = arith.addf %get3A_618, %get3A_277 : vector<16xf32>
        %swap3A_620 = arith.index_cast %scan3A_585 : i32 to index
        %swap3A_621 = arith.constant 48 : index
        %swap3A_622 = tpu.vector_load %arg9[%swap3A_620, %swap3A_621] {strides = array<i32>} : memref<128x64xf32, #tpu.memory_space<vmem>>, vector<1x16xf32>,
        %swap3A_623 = vector.shape_cast %swap3A_622 : vector<1x16xf32> to vector<16xf32>
        %swap3A_624 = vector.shape_cast %add3A_619 : vector<16xf32> to vector<1x16xf32>
        tpu.vector_store %arg9[%swap3A_620, %swap3A_621], %swap3A_624 {strides = array<i32>} : memref<128x64xf32, #tpu.memory_space<vmem>>, vector<1x16xf32>,
      }
      %scan3A_283 = arith.constant 128 : i32
      %mul3A_284 = arith.constant 128 : i32
      %mul3A_285 = arith.muli %add3A_228, %mul3A_284 : i32
      %add3A_286 = arith.addi %mul3A_4, %mul3A_285 : i32
      %jit3A_287 = arith.constant 16384 : i32
      %div3A_288 = arith.divsi %add3A_286, %jit3A_287 : i32
      %sign3A_289 = arith.constant 0 : i32
      %sign3A_290 = arith.cmpi sgt, %add3A_286, %sign3A_289 : i32
      %sign3A_291 = arith.extui %sign3A_290 : i1 to i32
      %sign3A_292 = arith.constant 0 : i32
      %sign3A_293 = arith.cmpi slt, %add3A_286, %sign3A_292 : i32
      %sign3A_294 = arith.extui %sign3A_293 : i1 to i32
      %sign3A_295 = arith.subi %sign3A_291, %sign3A_294 : i32
      %sign3A_296 = arith.constant 0 : i32
      %sign3A_297 = arith.cmpi sgt, %jit3A_287, %sign3A_296 : i32
      %sign3A_298 = arith.extui %sign3A_297 : i1 to i32
      %sign3A_299 = arith.constant 0 : i32
      %sign3A_300 = arith.cmpi slt, %jit3A_287, %sign3A_299 : i32
      %sign3A_301 = arith.extui %sign3A_300 : i1 to i32
      %sign3A_302 = arith.subi %sign3A_298, %sign3A_301 : i32
      %ne3A_303 = arith.cmpi ne, %sign3A_295, %sign3A_302 : i32
      %rem3A_304 = arith.remsi %add3A_286, %jit3A_287 : i32
      %ne3A_305 = arith.constant 0 : i32
      %ne3A_306 = arith.cmpi ne, %rem3A_304, %ne3A_305 : i32
      %and3A_307 = arith.andi %ne3A_303, %ne3A_306 : i1
      %sub3A_308 = arith.constant 1 : i32
      %sub3A_309 = arith.subi %div3A_288, %sub3A_308 : i32
      %select_n3A_310 = arith.select %and3A_307, %sub3A_309, %div3A_288 : i32
      %jit3A_311 = arith.constant 16384 : i32
      %eq3A_312 = arith.constant 0 : i32
      %eq3A_313 = arith.cmpi eq, %jit3A_311, %eq3A_312 : i32
      %jit3A_314 = arith.constant 1 : i32
      %select_n3A_315 = arith.select %eq3A_313, %jit3A_314, %jit3A_311 : i32
      %rem3A_316 = arith.remsi %add3A_286, %select_n3A_315 : i32
      %ne3A_317 = arith.constant 0 : i32
      %ne3A_318 = arith.cmpi ne, %rem3A_316, %ne3A_317 : i32
      %lt3A_319 = arith.constant 0 : i32
      %lt3A_320 = arith.cmpi slt, %rem3A_316, %lt3A_319 : i32
      %lt3A_321 = arith.constant 0 : i32
      %lt3A_322 = arith.cmpi slt, %select_n3A_315, %lt3A_321 : i32
      %ne3A_323 = arith.xori %lt3A_320, %lt3A_322 : i1
      %and3A_324 = arith.andi %ne3A_323, %ne3A_318 : i1
      %add3A_325 = arith.addi %rem3A_316, %select_n3A_315 : i32
      %select_n3A_326 = arith.select %and3A_324, %add3A_325, %rem3A_316 : i32
      %dma_start3A_327 = arith.constant 0 : i32
      %dma_start3A_328 = tpu.memref_slice %arg5[%select_n3A_310, %select_n3A_326, %dma_start3A_327] : memref<7x16384x64xf32, #tpu.memory_space<hbm>> -> memref<1x128x64xf32, #tpu.memory_space<hbm>>
      %dma_start3A_329 = tpu.memref_squeeze %dma_start3A_328 : memref<1x128x64xf32, #tpu.memory_space<hbm>> -> memref<128x64xf32, #tpu.memory_space<hbm>>
      %dma_start3A_330 = arith.constant 0 : i32
      %dma_start3A_331 = tpu.memref_slice %arg5[%select_n3A_310, %select_n3A_326, %dma_start3A_330] : memref<7x16384x64xf32, #tpu.memory_space<hbm>> -> memref<1x128x64xf32, #tpu.memory_space<hbm>>
      %dma_start3A_332 = tpu.memref_squeeze %dma_start3A_331 : memref<1x128x64xf32, #tpu.memory_space<hbm>> -> memref<128x64xf32, #tpu.memory_space<hbm>>
      tpu.enqueue_dma source(%arg9 : memref<128x64xf32, #tpu.memory_space<vmem>>) target(%dma_start3A_332 : memref<128x64xf32, #tpu.memory_space<hbm>>) target_semaphore(%arg17 : memref<!tpu.dma_semaphore, #tpu.memory_space<semaphore_mem>>)
      %ge3A_333 = arith.constant 2 : i32
      %ge3A_334 = arith.cmpi sge, %add3A_228, %ge3A_333 : i32
      %convert_element_type3A_335 = arith.extui %ge3A_334 : i1 to i32
      %cond3A_336 = arith.constant 0 : i32
      %cond3A_337 = arith.cmpi ne, %convert_element_type3A_335, %cond3A_336 : i32
      scf.if %cond3A_337 {
        %sub3A_585 = arith.constant 2 : i32
        %sub3A_586 = arith.subi %add3A_228, %sub3A_585 : i32
        %mul3A_587 = arith.constant 128 : i32
        %mul3A_588 = arith.muli %sub3A_586, %mul3A_587 : i32
        %add3A_589 = arith.addi %mul3A_4, %mul3A_588 : i32
        %jit3A_590 = arith.constant 16384 : i32
        %div3A_591 = arith.divsi %add3A_589, %jit3A_590 : i32
        %sign3A_592 = arith.constant 0 : i32
        %sign3A_593 = arith.cmpi sgt, %add3A_589, %sign3A_592 : i32
        %sign3A_594 = arith.extui %sign3A_593 : i1 to i32
        %sign3A_595 = arith.constant 0 : i32
        %sign3A_596 = arith.cmpi slt, %add3A_589, %sign3A_595 : i32
        %sign3A_597 = arith.extui %sign3A_596 : i1 to i32
        %sign3A_598 = arith.subi %sign3A_594, %sign3A_597 : i32
        %sign3A_599 = arith.constant 0 : i32
        %sign3A_600 = arith.cmpi sgt, %jit3A_590, %sign3A_599 : i32
        %sign3A_601 = arith.extui %sign3A_600 : i1 to i32
        %sign3A_602 = arith.constant 0 : i32
        %sign3A_603 = arith.cmpi slt, %jit3A_590, %sign3A_602 : i32
        %sign3A_604 = arith.extui %sign3A_603 : i1 to i32
        %sign3A_605 = arith.subi %sign3A_601, %sign3A_604 : i32
        %ne3A_606 = arith.cmpi ne, %sign3A_598, %sign3A_605 : i32
        %rem3A_607 = arith.remsi %add3A_589, %jit3A_590 : i32
        %ne3A_608 = arith.constant 0 : i32
        %ne3A_609 = arith.cmpi ne, %rem3A_607, %ne3A_608 : i32
        %and3A_610 = arith.andi %ne3A_606, %ne3A_609 : i1
        %sub3A_611 = arith.constant 1 : i32
        %sub3A_612 = arith.subi %div3A_591, %sub3A_611 : i32
        %select_n3A_613 = arith.select %and3A_610, %sub3A_612, %div3A_591 : i32
        %jit3A_614 = arith.constant 16384 : i32
        %eq3A_615 = arith.constant 0 : i32
        %eq3A_616 = arith.cmpi eq, %jit3A_614, %eq3A_615 : i32
        %jit3A_617 = arith.constant 1 : i32
        %select_n3A_618 = arith.select %eq3A_616, %jit3A_617, %jit3A_614 : i32
        %rem3A_619 = arith.remsi %add3A_589, %select_n3A_618 : i32
        %ne3A_620 = arith.constant 0 : i32
        %ne3A_621 = arith.cmpi ne, %rem3A_619, %ne3A_620 : i32
        %lt3A_622 = arith.constant 0 : i32
        %lt3A_623 = arith.cmpi slt, %rem3A_619, %lt3A_622 : i32
        %lt3A_624 = arith.constant 0 : i32
        %lt3A_625 = arith.cmpi slt, %select_n3A_618, %lt3A_624 : i32
        %ne3A_626 = arith.xori %lt3A_623, %lt3A_625 : i1
        %and3A_627 = arith.andi %ne3A_626, %ne3A_621 : i1
        %add3A_628 = arith.addi %rem3A_619, %select_n3A_618 : i32
        %select_n3A_629 = arith.select %and3A_627, %add3A_628, %rem3A_619 : i32
        %dma_wait3A_630 = arith.constant 0 : i32
        %dma_wait3A_631 = tpu.memref_slice %arg5[%select_n3A_613, %select_n3A_629, %dma_wait3A_630] : memref<7x16384x64xf32, #tpu.memory_space<hbm>> -> memref<1x128x64xf32, #tpu.memory_space<hbm>>
        %dma_wait3A_632 = tpu.memref_squeeze %dma_wait3A_631 : memref<1x128x64xf32, #tpu.memory_space<hbm>> -> memref<128x64xf32, #tpu.memory_space<hbm>>
        %dma_wait3A_633 = arith.constant 0 : i32
        %dma_wait3A_634 = tpu.memref_slice %arg5[%select_n3A_613, %select_n3A_629, %dma_wait3A_633] : memref<7x16384x64xf32, #tpu.memory_space<hbm>> -> memref<1x128x64xf32, #tpu.memory_space<hbm>>
        %dma_wait3A_635 = tpu.memref_squeeze %dma_wait3A_634 : memref<1x128x64xf32, #tpu.memory_space<hbm>> -> memref<128x64xf32, #tpu.memory_space<hbm>>
        tpu.wait_dma2 semaphore(%arg19 : memref<!tpu.dma_semaphore, #tpu.memory_space<semaphore_mem>>) src(%arg11 : memref<128x64xf32, #tpu.memory_space<vmem>>) dst(%dma_wait3A_635 : memref<128x64xf32, #tpu.memory_space<hbm>>)
      } else {
      }
      %add3A_338 = arith.constant 2 : i32
      %add3A_339 = arith.addi %add3A_228, %add3A_338 : i32
      %lt3A_340 = arith.constant 28 : i32
      %lt3A_341 = arith.cmpi slt, %add3A_339, %lt3A_340 : i32
      %convert_element_type3A_342 = arith.extui %lt3A_341 : i1 to i32
      %cond3A_343 = arith.constant 0 : i32
      %cond3A_344 = arith.cmpi ne, %convert_element_type3A_342, %cond3A_343 : i32
      scf.if %cond3A_344 {
        %add3A_585 = arith.constant 2 : i32
        %add3A_586 = arith.addi %add3A_228, %add3A_585 : i32
        %dma_start3A_587 = arith.constant 0 : i32
        %dma_start3A_588 = tpu.memref_slice %arg6[%add3A_586, %dma_start3A_587] : memref<28x128xi32, #tpu.memory_space<vmem>> -> memref<1x128xi32, #tpu.memory_space<vmem>>
        %dma_start3A_589 = tpu.memref_squeeze %dma_start3A_588 : memref<1x128xi32, #tpu.memory_space<vmem>> -> memref<128xi32, #tpu.memory_space<vmem>>
        %dma_start3A_590 = arith.constant 0 : i32
        %dma_start3A_591 = arith.constant 0 : i32
        %dma_start3A_592 = tpu.memref_slice %arg4[%dma_start3A_590, %dma_start3A_591] : memref<1000000x64xf32, #tpu.memory_space<hbm>> -> memref<1000000x64xf32, #tpu.memory_space<hbm>>
        tpu.enqueue_indirect_dma source(%dma_start3A_592 : memref<1000000x64xf32, #tpu.memory_space<hbm>>) target(%arg11 : memref<128x64xf32, #tpu.memory_space<vmem>>) offsets(%dma_start3A_589 : memref<128xi32, #tpu.memory_space<vmem>>) semaphore(%arg15 : memref<!tpu.dma_semaphore, #tpu.memory_space<semaphore_mem>>)
      } else {
      }
      %mul3A_345 = arith.constant 4 : i32
      %mul3A_346 = arith.muli %mul3A_345, %scan3A_108 : i32
      %add3A_347 = arith.constant 2 : i32
      %add3A_348 = arith.addi %mul3A_346, %add3A_347 : i32
      %dma_wait3A_349 = arith.constant 0 : i32
      %dma_wait3A_350 = tpu.memref_slice %arg6[%add3A_348, %dma_wait3A_349] : memref<28x128xi32, #tpu.memory_space<vmem>> -> memref<1x128xi32, #tpu.memory_space<vmem>>
      %dma_wait3A_351 = tpu.memref_squeeze %dma_wait3A_350 : memref<1x128xi32, #tpu.memory_space<vmem>> -> memref<128xi32, #tpu.memory_space<vmem>>
      %dma_wait3A_352 = arith.constant 0 : i32
      %dma_wait3A_353 = arith.constant 0 : i32
      %dma_wait3A_354 = tpu.memref_slice %arg4[%dma_wait3A_352, %dma_wait3A_353] : memref<1000000x64xf32, #tpu.memory_space<hbm>> -> memref<1000000x64xf32, #tpu.memory_space<hbm>>
      tpu.wait_indirect_dma semaphore(%arg14 : memref<!tpu.dma_semaphore, #tpu.memory_space<semaphore_mem>>) src(%dma_wait3A_354 : memref<1000000x64xf32, #tpu.memory_space<hbm>>) dst(%arg10 : memref<128x64xf32, #tpu.memory_space<vmem>>)
      %mul3A_355 = arith.constant 128 : i32
      %mul3A_356 = arith.muli %add3A_348, %mul3A_355 : i32
      %add3A_357 = arith.addi %mul3A_4, %mul3A_356 : i32
      %jit3A_358 = arith.constant 16384 : i32
      %div3A_359 = arith.divsi %add3A_357, %jit3A_358 : i32
      %sign3A_360 = arith.constant 0 : i32
      %sign3A_361 = arith.cmpi sgt, %add3A_357, %sign3A_360 : i32
      %sign3A_362 = arith.extui %sign3A_361 : i1 to i32
      %sign3A_363 = arith.constant 0 : i32
      %sign3A_364 = arith.cmpi slt, %add3A_357, %sign3A_363 : i32
      %sign3A_365 = arith.extui %sign3A_364 : i1 to i32
      %sign3A_366 = arith.subi %sign3A_362, %sign3A_365 : i32
      %sign3A_367 = arith.constant 0 : i32
      %sign3A_368 = arith.cmpi sgt, %jit3A_358, %sign3A_367 : i32
      %sign3A_369 = arith.extui %sign3A_368 : i1 to i32
      %sign3A_370 = arith.constant 0 : i32
      %sign3A_371 = arith.cmpi slt, %jit3A_358, %sign3A_370 : i32
      %sign3A_372 = arith.extui %sign3A_371 : i1 to i32
      %sign3A_373 = arith.subi %sign3A_369, %sign3A_372 : i32
      %ne3A_374 = arith.cmpi ne, %sign3A_366, %sign3A_373 : i32
      %rem3A_375 = arith.remsi %add3A_357, %jit3A_358 : i32
      %ne3A_376 = arith.constant 0 : i32
      %ne3A_377 = arith.cmpi ne, %rem3A_375, %ne3A_376 : i32
      %and3A_378 = arith.andi %ne3A_374, %ne3A_377 : i1
      %sub3A_379 = arith.constant 1 : i32
      %sub3A_380 = arith.subi %div3A_359, %sub3A_379 : i32
      %select_n3A_381 = arith.select %and3A_378, %sub3A_380, %div3A_359 : i32
      %get3A_382 = arith.index_cast %select_n3A_381 : i32 to index
      %get3A_383 = arith.constant 0 : index
      %get3A_384 = tpu.vector_load %arg7[%get3A_382, %get3A_383] {strides = array<i32>} : memref<7x64xf32, #tpu.memory_space<vmem>>, vector<1x16xf32>,
      %get3A_385 = vector.shape_cast %get3A_384 : vector<1x16xf32> to vector<16xf32>
      %get3A_386 = arith.index_cast %select_n3A_381 : i32 to index
      %get3A_387 = arith.constant 16 : index
      %get3A_388 = tpu.vector_load %arg7[%get3A_386, %get3A_387] {strides = array<i32>} : memref<7x64xf32, #tpu.memory_space<vmem>>, vector<1x16xf32>,
      %get3A_389 = vector.shape_cast %get3A_388 : vector<1x16xf32> to vector<16xf32>
      %get3A_390 = arith.index_cast %select_n3A_381 : i32 to index
      %get3A_391 = arith.constant 32 : index
      %get3A_392 = tpu.vector_load %arg7[%get3A_390, %get3A_391] {strides = array<i32>} : memref<7x64xf32, #tpu.memory_space<vmem>>, vector<1x16xf32>,
      %get3A_393 = vector.shape_cast %get3A_392 : vector<1x16xf32> to vector<16xf32>
      %get3A_394 = arith.index_cast %select_n3A_381 : i32 to index
      %get3A_395 = arith.constant 48 : index
      %get3A_396 = tpu.vector_load %arg7[%get3A_394, %get3A_395] {strides = array<i32>} : memref<7x64xf32, #tpu.memory_space<vmem>>, vector<1x16xf32>,
      %get3A_397 = vector.shape_cast %get3A_396 : vector<1x16xf32> to vector<16xf32>
      %scan3A_398 = arith.constant 0 : i32
      %scan3A_399 = arith.constant 0 : i32
      %scan3A_400 = arith.constant 128 : i32
      %scan3A_401 = arith.addi %scan3A_399, %scan3A_400 : i32
      %scan3A_402 = arith.constant 1 : i32
      scf.for %scan3A_585 = %scan3A_399 to %scan3A_401 step %scan3A_402  : i32 {
        %get3A_586 = arith.index_cast %scan3A_585 : i32 to index
        %get3A_587 = arith.constant 0 : index
        %get3A_588 = tpu.vector_load %arg10[%get3A_586, %get3A_587] {strides = array<i32>} : memref<128x64xf32, #tpu.memory_space<vmem>>, vector<1x16xf32>,
        %get3A_589 = vector.shape_cast %get3A_588 : vector<1x16xf32> to vector<16xf32>
        %add3A_590 = arith.addf %get3A_589, %get3A_385 : vector<16xf32>
        %swap3A = arith.index_cast %scan3A_585 : i32 to index
        %swap3A_591 = arith.constant 0 : index
        %swap3A_592 = tpu.vector_load %arg10[%swap3A, %swap3A_591] {strides = array<i32>} : memref<128x64xf32, #tpu.memory_space<vmem>>, vector<1x16xf32>,
        %swap3A_593 = vector.shape_cast %swap3A_592 : vector<1x16xf32> to vector<16xf32>
        %swap3A_594 = vector.shape_cast %add3A_590 : vector<16xf32> to vector<1x16xf32>
        tpu.vector_store %arg10[%swap3A, %swap3A_591], %swap3A_594 {strides = array<i32>} : memref<128x64xf32, #tpu.memory_space<vmem>>, vector<1x16xf32>,
        %get3A_595 = arith.index_cast %scan3A_585 : i32 to index
        %get3A_596 = arith.constant 16 : index
        %get3A_597 = tpu.vector_load %arg10[%get3A_595, %get3A_596] {strides = array<i32>} : memref<128x64xf32, #tpu.memory_space<vmem>>, vector<1x16xf32>,
        %get3A_598 = vector.shape_cast %get3A_597 : vector<1x16xf32> to vector<16xf32>
        %add3A_599 = arith.addf %get3A_598, %get3A_389 : vector<16xf32>
        %swap3A_600 = arith.index_cast %scan3A_585 : i32 to index
        %swap3A_601 = arith.constant 16 : index
        %swap3A_602 = tpu.vector_load %arg10[%swap3A_600, %swap3A_601] {strides = array<i32>} : memref<128x64xf32, #tpu.memory_space<vmem>>, vector<1x16xf32>,
        %swap3A_603 = vector.shape_cast %swap3A_602 : vector<1x16xf32> to vector<16xf32>
        %swap3A_604 = vector.shape_cast %add3A_599 : vector<16xf32> to vector<1x16xf32>
        tpu.vector_store %arg10[%swap3A_600, %swap3A_601], %swap3A_604 {strides = array<i32>} : memref<128x64xf32, #tpu.memory_space<vmem>>, vector<1x16xf32>,
        %get3A_605 = arith.index_cast %scan3A_585 : i32 to index
        %get3A_606 = arith.constant 32 : index
        %get3A_607 = tpu.vector_load %arg10[%get3A_605, %get3A_606] {strides = array<i32>} : memref<128x64xf32, #tpu.memory_space<vmem>>, vector<1x16xf32>,
        %get3A_608 = vector.shape_cast %get3A_607 : vector<1x16xf32> to vector<16xf32>
        %add3A_609 = arith.addf %get3A_608, %get3A_393 : vector<16xf32>
        %swap3A_610 = arith.index_cast %scan3A_585 : i32 to index
        %swap3A_611 = arith.constant 32 : index
        %swap3A_612 = tpu.vector_load %arg10[%swap3A_610, %swap3A_611] {strides = array<i32>} : memref<128x64xf32, #tpu.memory_space<vmem>>, vector<1x16xf32>,
        %swap3A_613 = vector.shape_cast %swap3A_612 : vector<1x16xf32> to vector<16xf32>
        %swap3A_614 = vector.shape_cast %add3A_609 : vector<16xf32> to vector<1x16xf32>
        tpu.vector_store %arg10[%swap3A_610, %swap3A_611], %swap3A_614 {strides = array<i32>} : memref<128x64xf32, #tpu.memory_space<vmem>>, vector<1x16xf32>,
        %get3A_615 = arith.index_cast %scan3A_585 : i32 to index
        %get3A_616 = arith.constant 48 : index
        %get3A_617 = tpu.vector_load %arg10[%get3A_615, %get3A_616] {strides = array<i32>} : memref<128x64xf32, #tpu.memory_space<vmem>>, vector<1x16xf32>,
        %get3A_618 = vector.shape_cast %get3A_617 : vector<1x16xf32> to vector<16xf32>
        %add3A_619 = arith.addf %get3A_618, %get3A_397 : vector<16xf32>
        %swap3A_620 = arith.index_cast %scan3A_585 : i32 to index
        %swap3A_621 = arith.constant 48 : index
        %swap3A_622 = tpu.vector_load %arg10[%swap3A_620, %swap3A_621] {strides = array<i32>} : memref<128x64xf32, #tpu.memory_space<vmem>>, vector<1x16xf32>,
        %swap3A_623 = vector.shape_cast %swap3A_622 : vector<1x16xf32> to vector<16xf32>
        %swap3A_624 = vector.shape_cast %add3A_619 : vector<16xf32> to vector<1x16xf32>
        tpu.vector_store %arg10[%swap3A_620, %swap3A_621], %swap3A_624 {strides = array<i32>} : memref<128x64xf32, #tpu.memory_space<vmem>>, vector<1x16xf32>,
      }
      %scan3A_403 = arith.constant 128 : i32
      %mul3A_404 = arith.constant 128 : i32
      %mul3A_405 = arith.muli %add3A_348, %mul3A_404 : i32
      %add3A_406 = arith.addi %mul3A_4, %mul3A_405 : i32
      %jit3A_407 = arith.constant 16384 : i32
      %div3A_408 = arith.divsi %add3A_406, %jit3A_407 : i32
      %sign3A_409 = arith.constant 0 : i32
      %sign3A_410 = arith.cmpi sgt, %add3A_406, %sign3A_409 : i32
      %sign3A_411 = arith.extui %sign3A_410 : i1 to i32
      %sign3A_412 = arith.constant 0 : i32
      %sign3A_413 = arith.cmpi slt, %add3A_406, %sign3A_412 : i32
      %sign3A_414 = arith.extui %sign3A_413 : i1 to i32
      %sign3A_415 = arith.subi %sign3A_411, %sign3A_414 : i32
      %sign3A_416 = arith.constant 0 : i32
      %sign3A_417 = arith.cmpi sgt, %jit3A_407, %sign3A_416 : i32
      %sign3A_418 = arith.extui %sign3A_417 : i1 to i32
      %sign3A_419 = arith.constant 0 : i32
      %sign3A_420 = arith.cmpi slt, %jit3A_407, %sign3A_419 : i32
      %sign3A_421 = arith.extui %sign3A_420 : i1 to i32
      %sign3A_422 = arith.subi %sign3A_418, %sign3A_421 : i32
      %ne3A_423 = arith.cmpi ne, %sign3A_415, %sign3A_422 : i32
      %rem3A_424 = arith.remsi %add3A_406, %jit3A_407 : i32
      %ne3A_425 = arith.constant 0 : i32
      %ne3A_426 = arith.cmpi ne, %rem3A_424, %ne3A_425 : i32
      %and3A_427 = arith.andi %ne3A_423, %ne3A_426 : i1
      %sub3A_428 = arith.constant 1 : i32
      %sub3A_429 = arith.subi %div3A_408, %sub3A_428 : i32
      %select_n3A_430 = arith.select %and3A_427, %sub3A_429, %div3A_408 : i32
      %jit3A_431 = arith.constant 16384 : i32
      %eq3A_432 = arith.constant 0 : i32
      %eq3A_433 = arith.cmpi eq, %jit3A_431, %eq3A_432 : i32
      %jit3A_434 = arith.constant 1 : i32
      %select_n3A_435 = arith.select %eq3A_433, %jit3A_434, %jit3A_431 : i32
      %rem3A_436 = arith.remsi %add3A_406, %select_n3A_435 : i32
      %ne3A_437 = arith.constant 0 : i32
      %ne3A_438 = arith.cmpi ne, %rem3A_436, %ne3A_437 : i32
      %lt3A_439 = arith.constant 0 : i32
      %lt3A_440 = arith.cmpi slt, %rem3A_436, %lt3A_439 : i32
      %lt3A_441 = arith.constant 0 : i32
      %lt3A_442 = arith.cmpi slt, %select_n3A_435, %lt3A_441 : i32
      %ne3A_443 = arith.xori %lt3A_440, %lt3A_442 : i1
      %and3A_444 = arith.andi %ne3A_443, %ne3A_438 : i1
      %add3A_445 = arith.addi %rem3A_436, %select_n3A_435 : i32
      %select_n3A_446 = arith.select %and3A_444, %add3A_445, %rem3A_436 : i32
      %dma_start3A_447 = arith.constant 0 : i32
      %dma_start3A_448 = tpu.memref_slice %arg5[%select_n3A_430, %select_n3A_446, %dma_start3A_447] : memref<7x16384x64xf32, #tpu.memory_space<hbm>> -> memref<1x128x64xf32, #tpu.memory_space<hbm>>
      %dma_start3A_449 = tpu.memref_squeeze %dma_start3A_448 : memref<1x128x64xf32, #tpu.memory_space<hbm>> -> memref<128x64xf32, #tpu.memory_space<hbm>>
      %dma_start3A_450 = arith.constant 0 : i32
      %dma_start3A_451 = tpu.memref_slice %arg5[%select_n3A_430, %select_n3A_446, %dma_start3A_450] : memref<7x16384x64xf32, #tpu.memory_space<hbm>> -> memref<1x128x64xf32, #tpu.memory_space<hbm>>
      %dma_start3A_452 = tpu.memref_squeeze %dma_start3A_451 : memref<1x128x64xf32, #tpu.memory_space<hbm>> -> memref<128x64xf32, #tpu.memory_space<hbm>>
      tpu.enqueue_dma source(%arg10 : memref<128x64xf32, #tpu.memory_space<vmem>>) target(%dma_start3A_452 : memref<128x64xf32, #tpu.memory_space<hbm>>) target_semaphore(%arg18 : memref<!tpu.dma_semaphore, #tpu.memory_space<semaphore_mem>>)
      %ge3A_453 = arith.constant 2 : i32
      %ge3A_454 = arith.cmpi sge, %add3A_348, %ge3A_453 : i32
      %convert_element_type3A_455 = arith.extui %ge3A_454 : i1 to i32
      %cond3A_456 = arith.constant 0 : i32
      %cond3A_457 = arith.cmpi ne, %convert_element_type3A_455, %cond3A_456 : i32
      scf.if %cond3A_457 {
        %sub3A_585 = arith.constant 2 : i32
        %sub3A_586 = arith.subi %add3A_348, %sub3A_585 : i32
        %mul3A_587 = arith.constant 128 : i32
        %mul3A_588 = arith.muli %sub3A_586, %mul3A_587 : i32
        %add3A_589 = arith.addi %mul3A_4, %mul3A_588 : i32
        %jit3A_590 = arith.constant 16384 : i32
        %div3A_591 = arith.divsi %add3A_589, %jit3A_590 : i32
        %sign3A_592 = arith.constant 0 : i32
        %sign3A_593 = arith.cmpi sgt, %add3A_589, %sign3A_592 : i32
        %sign3A_594 = arith.extui %sign3A_593 : i1 to i32
        %sign3A_595 = arith.constant 0 : i32
        %sign3A_596 = arith.cmpi slt, %add3A_589, %sign3A_595 : i32
        %sign3A_597 = arith.extui %sign3A_596 : i1 to i32
        %sign3A_598 = arith.subi %sign3A_594, %sign3A_597 : i32
        %sign3A_599 = arith.constant 0 : i32
        %sign3A_600 = arith.cmpi sgt, %jit3A_590, %sign3A_599 : i32
        %sign3A_601 = arith.extui %sign3A_600 : i1 to i32
        %sign3A_602 = arith.constant 0 : i32
        %sign3A_603 = arith.cmpi slt, %jit3A_590, %sign3A_602 : i32
        %sign3A_604 = arith.extui %sign3A_603 : i1 to i32
        %sign3A_605 = arith.subi %sign3A_601, %sign3A_604 : i32
        %ne3A_606 = arith.cmpi ne, %sign3A_598, %sign3A_605 : i32
        %rem3A_607 = arith.remsi %add3A_589, %jit3A_590 : i32
        %ne3A_608 = arith.constant 0 : i32
        %ne3A_609 = arith.cmpi ne, %rem3A_607, %ne3A_608 : i32
        %and3A_610 = arith.andi %ne3A_606, %ne3A_609 : i1
        %sub3A_611 = arith.constant 1 : i32
        %sub3A_612 = arith.subi %div3A_591, %sub3A_611 : i32
        %select_n3A_613 = arith.select %and3A_610, %sub3A_612, %div3A_591 : i32
        %jit3A_614 = arith.constant 16384 : i32
        %eq3A_615 = arith.constant 0 : i32
        %eq3A_616 = arith.cmpi eq, %jit3A_614, %eq3A_615 : i32
        %jit3A_617 = arith.constant 1 : i32
        %select_n3A_618 = arith.select %eq3A_616, %jit3A_617, %jit3A_614 : i32
        %rem3A_619 = arith.remsi %add3A_589, %select_n3A_618 : i32
        %ne3A_620 = arith.constant 0 : i32
        %ne3A_621 = arith.cmpi ne, %rem3A_619, %ne3A_620 : i32
        %lt3A_622 = arith.constant 0 : i32
        %lt3A_623 = arith.cmpi slt, %rem3A_619, %lt3A_622 : i32
        %lt3A_624 = arith.constant 0 : i32
        %lt3A_625 = arith.cmpi slt, %select_n3A_618, %lt3A_624 : i32
        %ne3A_626 = arith.xori %lt3A_623, %lt3A_625 : i1
        %and3A_627 = arith.andi %ne3A_626, %ne3A_621 : i1
        %add3A_628 = arith.addi %rem3A_619, %select_n3A_618 : i32
        %select_n3A_629 = arith.select %and3A_627, %add3A_628, %rem3A_619 : i32
        %dma_wait3A_630 = arith.constant 0 : i32
        %dma_wait3A_631 = tpu.memref_slice %arg5[%select_n3A_613, %select_n3A_629, %dma_wait3A_630] : memref<7x16384x64xf32, #tpu.memory_space<hbm>> -> memref<1x128x64xf32, #tpu.memory_space<hbm>>
        %dma_wait3A_632 = tpu.memref_squeeze %dma_wait3A_631 : memref<1x128x64xf32, #tpu.memory_space<hbm>> -> memref<128x64xf32, #tpu.memory_space<hbm>>
        %dma_wait3A_633 = arith.constant 0 : i32
        %dma_wait3A_634 = tpu.memref_slice %arg5[%select_n3A_613, %select_n3A_629, %dma_wait3A_633] : memref<7x16384x64xf32, #tpu.memory_space<hbm>> -> memref<1x128x64xf32, #tpu.memory_space<hbm>>
        %dma_wait3A_635 = tpu.memref_squeeze %dma_wait3A_634 : memref<1x128x64xf32, #tpu.memory_space<hbm>> -> memref<128x64xf32, #tpu.memory_space<hbm>>
        tpu.wait_dma2 semaphore(%arg16 : memref<!tpu.dma_semaphore, #tpu.memory_space<semaphore_mem>>) src(%arg8 : memref<128x64xf32, #tpu.memory_space<vmem>>) dst(%dma_wait3A_635 : memref<128x64xf32, #tpu.memory_space<hbm>>)
      } else {
      }
      %add3A_458 = arith.constant 2 : i32
      %add3A_459 = arith.addi %add3A_348, %add3A_458 : i32
      %lt3A_460 = arith.constant 28 : i32
      %lt3A_461 = arith.cmpi slt, %add3A_459, %lt3A_460 : i32
      %convert_element_type3A_462 = arith.extui %lt3A_461 : i1 to i32
      %cond3A_463 = arith.constant 0 : i32
      %cond3A_464 = arith.cmpi ne, %convert_element_type3A_462, %cond3A_463 : i32
      scf.if %cond3A_464 {
        %add3A_585 = arith.constant 2 : i32
        %add3A_586 = arith.addi %add3A_348, %add3A_585 : i32
        %dma_start3A_587 = arith.constant 0 : i32
        %dma_start3A_588 = tpu.memref_slice %arg6[%add3A_586, %dma_start3A_587] : memref<28x128xi32, #tpu.memory_space<vmem>> -> memref<1x128xi32, #tpu.memory_space<vmem>>
        %dma_start3A_589 = tpu.memref_squeeze %dma_start3A_588 : memref<1x128xi32, #tpu.memory_space<vmem>> -> memref<128xi32, #tpu.memory_space<vmem>>
        %dma_start3A_590 = arith.constant 0 : i32
        %dma_start3A_591 = arith.constant 0 : i32
        %dma_start3A_592 = tpu.memref_slice %arg4[%dma_start3A_590, %dma_start3A_591] : memref<1000000x64xf32, #tpu.memory_space<hbm>> -> memref<1000000x64xf32, #tpu.memory_space<hbm>>
        tpu.enqueue_indirect_dma source(%dma_start3A_592 : memref<1000000x64xf32, #tpu.memory_space<hbm>>) target(%arg8 : memref<128x64xf32, #tpu.memory_space<vmem>>) offsets(%dma_start3A_589 : memref<128xi32, #tpu.memory_space<vmem>>) semaphore(%arg12 : memref<!tpu.dma_semaphore, #tpu.memory_space<semaphore_mem>>)
      } else {
      }
      %mul3A_465 = arith.constant 4 : i32
      %mul3A_466 = arith.muli %mul3A_465, %scan3A_108 : i32
      %add3A_467 = arith.constant 3 : i32
      %add3A_468 = arith.addi %mul3A_466, %add3A_467 : i32
      %dma_wait3A_469 = arith.constant 0 : i32
      %dma_wait3A_470 = tpu.memref_slice %arg6[%add3A_468, %dma_wait3A_469] : memref<28x128xi32, #tpu.memory_space<vmem>> -> memref<1x128xi32, #tpu.memory_space<vmem>>
      %dma_wait3A_471 = tpu.memref_squeeze %dma_wait3A_470 : memref<1x128xi32, #tpu.memory_space<vmem>> -> memref<128xi32, #tpu.memory_space<vmem>>
      %dma_wait3A_472 = arith.constant 0 : i32
      %dma_wait3A_473 = arith.constant 0 : i32
      %dma_wait3A_474 = tpu.memref_slice %arg4[%dma_wait3A_472, %dma_wait3A_473] : memref<1000000x64xf32, #tpu.memory_space<hbm>> -> memref<1000000x64xf32, #tpu.memory_space<hbm>>
      tpu.wait_indirect_dma semaphore(%arg15 : memref<!tpu.dma_semaphore, #tpu.memory_space<semaphore_mem>>) src(%dma_wait3A_474 : memref<1000000x64xf32, #tpu.memory_space<hbm>>) dst(%arg11 : memref<128x64xf32, #tpu.memory_space<vmem>>)
      %mul3A_475 = arith.constant 128 : i32
      %mul3A_476 = arith.muli %add3A_468, %mul3A_475 : i32
      %add3A_477 = arith.addi %mul3A_4, %mul3A_476 : i32
      %jit3A_478 = arith.constant 16384 : i32
      %div3A_479 = arith.divsi %add3A_477, %jit3A_478 : i32
      %sign3A_480 = arith.constant 0 : i32
      %sign3A_481 = arith.cmpi sgt, %add3A_477, %sign3A_480 : i32
      %sign3A_482 = arith.extui %sign3A_481 : i1 to i32
      %sign3A_483 = arith.constant 0 : i32
      %sign3A_484 = arith.cmpi slt, %add3A_477, %sign3A_483 : i32
      %sign3A_485 = arith.extui %sign3A_484 : i1 to i32
      %sign3A_486 = arith.subi %sign3A_482, %sign3A_485 : i32
      %sign3A_487 = arith.constant 0 : i32
      %sign3A_488 = arith.cmpi sgt, %jit3A_478, %sign3A_487 : i32
      %sign3A_489 = arith.extui %sign3A_488 : i1 to i32
      %sign3A_490 = arith.constant 0 : i32
      %sign3A_491 = arith.cmpi slt, %jit3A_478, %sign3A_490 : i32
      %sign3A_492 = arith.extui %sign3A_491 : i1 to i32
      %sign3A_493 = arith.subi %sign3A_489, %sign3A_492 : i32
      %ne3A_494 = arith.cmpi ne, %sign3A_486, %sign3A_493 : i32
      %rem3A_495 = arith.remsi %add3A_477, %jit3A_478 : i32
      %ne3A_496 = arith.constant 0 : i32
      %ne3A_497 = arith.cmpi ne, %rem3A_495, %ne3A_496 : i32
      %and3A_498 = arith.andi %ne3A_494, %ne3A_497 : i1
      %sub3A_499 = arith.constant 1 : i32
      %sub3A_500 = arith.subi %div3A_479, %sub3A_499 : i32
      %select_n3A_501 = arith.select %and3A_498, %sub3A_500, %div3A_479 : i32
      %get3A_502 = arith.index_cast %select_n3A_501 : i32 to index
      %get3A_503 = arith.constant 0 : index
      %get3A_504 = tpu.vector_load %arg7[%get3A_502, %get3A_503] {strides = array<i32>} : memref<7x64xf32, #tpu.memory_space<vmem>>, vector<1x16xf32>,
      %get3A_505 = vector.shape_cast %get3A_504 : vector<1x16xf32> to vector<16xf32>
      %get3A_506 = arith.index_cast %select_n3A_501 : i32 to index
      %get3A_507 = arith.constant 16 : index
      %get3A_508 = tpu.vector_load %arg7[%get3A_506, %get3A_507] {strides = array<i32>} : memref<7x64xf32, #tpu.memory_space<vmem>>, vector<1x16xf32>,
      %get3A_509 = vector.shape_cast %get3A_508 : vector<1x16xf32> to vector<16xf32>
      %get3A_510 = arith.index_cast %select_n3A_501 : i32 to index
      %get3A_511 = arith.constant 32 : index
      %get3A_512 = tpu.vector_load %arg7[%get3A_510, %get3A_511] {strides = array<i32>} : memref<7x64xf32, #tpu.memory_space<vmem>>, vector<1x16xf32>,
      %get3A_513 = vector.shape_cast %get3A_512 : vector<1x16xf32> to vector<16xf32>
      %get3A_514 = arith.index_cast %select_n3A_501 : i32 to index
      %get3A_515 = arith.constant 48 : index
      %get3A_516 = tpu.vector_load %arg7[%get3A_514, %get3A_515] {strides = array<i32>} : memref<7x64xf32, #tpu.memory_space<vmem>>, vector<1x16xf32>,
      %get3A_517 = vector.shape_cast %get3A_516 : vector<1x16xf32> to vector<16xf32>
      %scan3A_518 = arith.constant 0 : i32
      %scan3A_519 = arith.constant 0 : i32
      %scan3A_520 = arith.constant 128 : i32
      %scan3A_521 = arith.addi %scan3A_519, %scan3A_520 : i32
      %scan3A_522 = arith.constant 1 : i32
      scf.for %scan3A_585 = %scan3A_519 to %scan3A_521 step %scan3A_522  : i32 {
        %get3A_586 = arith.index_cast %scan3A_585 : i32 to index
        %get3A_587 = arith.constant 0 : index
        %get3A_588 = tpu.vector_load %arg11[%get3A_586, %get3A_587] {strides = array<i32>} : memref<128x64xf32, #tpu.memory_space<vmem>>, vector<1x16xf32>,
        %get3A_589 = vector.shape_cast %get3A_588 : vector<1x16xf32> to vector<16xf32>
        %add3A_590 = arith.addf %get3A_589, %get3A_505 : vector<16xf32>
        %swap3A = arith.index_cast %scan3A_585 : i32 to index
        %swap3A_591 = arith.constant 0 : index
        %swap3A_592 = tpu.vector_load %arg11[%swap3A, %swap3A_591] {strides = array<i32>} : memref<128x64xf32, #tpu.memory_space<vmem>>, vector<1x16xf32>,
        %swap3A_593 = vector.shape_cast %swap3A_592 : vector<1x16xf32> to vector<16xf32>
        %swap3A_594 = vector.shape_cast %add3A_590 : vector<16xf32> to vector<1x16xf32>
        tpu.vector_store %arg11[%swap3A, %swap3A_591], %swap3A_594 {strides = array<i32>} : memref<128x64xf32, #tpu.memory_space<vmem>>, vector<1x16xf32>,
        %get3A_595 = arith.index_cast %scan3A_585 : i32 to index
        %get3A_596 = arith.constant 16 : index
        %get3A_597 = tpu.vector_load %arg11[%get3A_595, %get3A_596] {strides = array<i32>} : memref<128x64xf32, #tpu.memory_space<vmem>>, vector<1x16xf32>,
        %get3A_598 = vector.shape_cast %get3A_597 : vector<1x16xf32> to vector<16xf32>
        %add3A_599 = arith.addf %get3A_598, %get3A_509 : vector<16xf32>
        %swap3A_600 = arith.index_cast %scan3A_585 : i32 to index
        %swap3A_601 = arith.constant 16 : index
        %swap3A_602 = tpu.vector_load %arg11[%swap3A_600, %swap3A_601] {strides = array<i32>} : memref<128x64xf32, #tpu.memory_space<vmem>>, vector<1x16xf32>,
        %swap3A_603 = vector.shape_cast %swap3A_602 : vector<1x16xf32> to vector<16xf32>
        %swap3A_604 = vector.shape_cast %add3A_599 : vector<16xf32> to vector<1x16xf32>
        tpu.vector_store %arg11[%swap3A_600, %swap3A_601], %swap3A_604 {strides = array<i32>} : memref<128x64xf32, #tpu.memory_space<vmem>>, vector<1x16xf32>,
        %get3A_605 = arith.index_cast %scan3A_585 : i32 to index
        %get3A_606 = arith.constant 32 : index
        %get3A_607 = tpu.vector_load %arg11[%get3A_605, %get3A_606] {strides = array<i32>} : memref<128x64xf32, #tpu.memory_space<vmem>>, vector<1x16xf32>,
        %get3A_608 = vector.shape_cast %get3A_607 : vector<1x16xf32> to vector<16xf32>
        %add3A_609 = arith.addf %get3A_608, %get3A_513 : vector<16xf32>
        %swap3A_610 = arith.index_cast %scan3A_585 : i32 to index
        %swap3A_611 = arith.constant 32 : index
        %swap3A_612 = tpu.vector_load %arg11[%swap3A_610, %swap3A_611] {strides = array<i32>} : memref<128x64xf32, #tpu.memory_space<vmem>>, vector<1x16xf32>,
        %swap3A_613 = vector.shape_cast %swap3A_612 : vector<1x16xf32> to vector<16xf32>
        %swap3A_614 = vector.shape_cast %add3A_609 : vector<16xf32> to vector<1x16xf32>
        tpu.vector_store %arg11[%swap3A_610, %swap3A_611], %swap3A_614 {strides = array<i32>} : memref<128x64xf32, #tpu.memory_space<vmem>>, vector<1x16xf32>,
        %get3A_615 = arith.index_cast %scan3A_585 : i32 to index
        %get3A_616 = arith.constant 48 : index
        %get3A_617 = tpu.vector_load %arg11[%get3A_615, %get3A_616] {strides = array<i32>} : memref<128x64xf32, #tpu.memory_space<vmem>>, vector<1x16xf32>,
        %get3A_618 = vector.shape_cast %get3A_617 : vector<1x16xf32> to vector<16xf32>
        %add3A_619 = arith.addf %get3A_618, %get3A_517 : vector<16xf32>
        %swap3A_620 = arith.index_cast %scan3A_585 : i32 to index
        %swap3A_621 = arith.constant 48 : index
        %swap3A_622 = tpu.vector_load %arg11[%swap3A_620, %swap3A_621] {strides = array<i32>} : memref<128x64xf32, #tpu.memory_space<vmem>>, vector<1x16xf32>,
        %swap3A_623 = vector.shape_cast %swap3A_622 : vector<1x16xf32> to vector<16xf32>
        %swap3A_624 = vector.shape_cast %add3A_619 : vector<16xf32> to vector<1x16xf32>
        tpu.vector_store %arg11[%swap3A_620, %swap3A_621], %swap3A_624 {strides = array<i32>} : memref<128x64xf32, #tpu.memory_space<vmem>>, vector<1x16xf32>,
      }
      %scan3A_523 = arith.constant 128 : i32
      %mul3A_524 = arith.constant 128 : i32
      %mul3A_525 = arith.muli %add3A_468, %mul3A_524 : i32
      %add3A_526 = arith.addi %mul3A_4, %mul3A_525 : i32
      %jit3A_527 = arith.constant 16384 : i32
      %div3A_528 = arith.divsi %add3A_526, %jit3A_527 : i32
      %sign3A_529 = arith.constant 0 : i32
      %sign3A_530 = arith.cmpi sgt, %add3A_526, %sign3A_529 : i32
      %sign3A_531 = arith.extui %sign3A_530 : i1 to i32
      %sign3A_532 = arith.constant 0 : i32
      %sign3A_533 = arith.cmpi slt, %add3A_526, %sign3A_532 : i32
      %sign3A_534 = arith.extui %sign3A_533 : i1 to i32
      %sign3A_535 = arith.subi %sign3A_531, %sign3A_534 : i32
      %sign3A_536 = arith.constant 0 : i32
      %sign3A_537 = arith.cmpi sgt, %jit3A_527, %sign3A_536 : i32
      %sign3A_538 = arith.extui %sign3A_537 : i1 to i32
      %sign3A_539 = arith.constant 0 : i32
      %sign3A_540 = arith.cmpi slt, %jit3A_527, %sign3A_539 : i32
      %sign3A_541 = arith.extui %sign3A_540 : i1 to i32
      %sign3A_542 = arith.subi %sign3A_538, %sign3A_541 : i32
      %ne3A_543 = arith.cmpi ne, %sign3A_535, %sign3A_542 : i32
      %rem3A_544 = arith.remsi %add3A_526, %jit3A_527 : i32
      %ne3A_545 = arith.constant 0 : i32
      %ne3A_546 = arith.cmpi ne, %rem3A_544, %ne3A_545 : i32
      %and3A_547 = arith.andi %ne3A_543, %ne3A_546 : i1
      %sub3A_548 = arith.constant 1 : i32
      %sub3A_549 = arith.subi %div3A_528, %sub3A_548 : i32
      %select_n3A_550 = arith.select %and3A_547, %sub3A_549, %div3A_528 : i32
      %jit3A_551 = arith.constant 16384 : i32
      %eq3A_552 = arith.constant 0 : i32
      %eq3A_553 = arith.cmpi eq, %jit3A_551, %eq3A_552 : i32
      %jit3A_554 = arith.constant 1 : i32
      %select_n3A_555 = arith.select %eq3A_553, %jit3A_554, %jit3A_551 : i32
      %rem3A_556 = arith.remsi %add3A_526, %select_n3A_555 : i32
      %ne3A_557 = arith.constant 0 : i32
      %ne3A_558 = arith.cmpi ne, %rem3A_556, %ne3A_557 : i32
      %lt3A_559 = arith.constant 0 : i32
      %lt3A_560 = arith.cmpi slt, %rem3A_556, %lt3A_559 : i32
      %lt3A_561 = arith.constant 0 : i32
      %lt3A_562 = arith.cmpi slt, %select_n3A_555, %lt3A_561 : i32
      %ne3A_563 = arith.xori %lt3A_560, %lt3A_562 : i1
      %and3A_564 = arith.andi %ne3A_563, %ne3A_558 : i1
      %add3A_565 = arith.addi %rem3A_556, %select_n3A_555 : i32
      %select_n3A_566 = arith.select %and3A_564, %add3A_565, %rem3A_556 : i32
      %dma_start3A_567 = arith.constant 0 : i32
      %dma_start3A_568 = tpu.memref_slice %arg5[%select_n3A_550, %select_n3A_566, %dma_start3A_567] : memref<7x16384x64xf32, #tpu.memory_space<hbm>> -> memref<1x128x64xf32, #tpu.memory_space<hbm>>
      %dma_start3A_569 = tpu.memref_squeeze %dma_start3A_568 : memref<1x128x64xf32, #tpu.memory_space<hbm>> -> memref<128x64xf32, #tpu.memory_space<hbm>>
      %dma_start3A_570 = arith.constant 0 : i32
      %dma_start3A_571 = tpu.memref_slice %arg5[%select_n3A_550, %select_n3A_566, %dma_start3A_570] : memref<7x16384x64xf32, #tpu.memory_space<hbm>> -> memref<1x128x64xf32, #tpu.memory_space<hbm>>
      %dma_start3A_572 = tpu.memref_squeeze %dma_start3A_571 : memref<1x128x64xf32, #tpu.memory_space<hbm>> -> memref<128x64xf32, #tpu.memory_space<hbm>>
      tpu.enqueue_dma source(%arg11 : memref<128x64xf32, #tpu.memory_space<vmem>>) target(%dma_start3A_572 : memref<128x64xf32, #tpu.memory_space<hbm>>) target_semaphore(%arg19 : memref<!tpu.dma_semaphore, #tpu.memory_space<semaphore_mem>>)
      %ge3A_573 = arith.constant 2 : i32
      %ge3A_574 = arith.cmpi sge, %add3A_468, %ge3A_573 : i32
      %convert_element_type3A_575 = arith.extui %ge3A_574 : i1 to i32
      %cond3A_576 = arith.constant 0 : i32
      %cond3A_577 = arith.cmpi ne, %convert_element_type3A_575, %cond3A_576 : i32
      scf.if %cond3A_577 {
        %sub3A_585 = arith.constant 2 : i32
        %sub3A_586 = arith.subi %add3A_468, %sub3A_585 : i32
        %mul3A_587 = arith.constant 128 : i32
        %mul3A_588 = arith.muli %sub3A_586, %mul3A_587 : i32
        %add3A_589 = arith.addi %mul3A_4, %mul3A_588 : i32
        %jit3A_590 = arith.constant 16384 : i32
        %div3A_591 = arith.divsi %add3A_589, %jit3A_590 : i32
        %sign3A_592 = arith.constant 0 : i32
        %sign3A_593 = arith.cmpi sgt, %add3A_589, %sign3A_592 : i32
        %sign3A_594 = arith.extui %sign3A_593 : i1 to i32
        %sign3A_595 = arith.constant 0 : i32
        %sign3A_596 = arith.cmpi slt, %add3A_589, %sign3A_595 : i32
        %sign3A_597 = arith.extui %sign3A_596 : i1 to i32
        %sign3A_598 = arith.subi %sign3A_594, %sign3A_597 : i32
        %sign3A_599 = arith.constant 0 : i32
        %sign3A_600 = arith.cmpi sgt, %jit3A_590, %sign3A_599 : i32
        %sign3A_601 = arith.extui %sign3A_600 : i1 to i32
        %sign3A_602 = arith.constant 0 : i32
        %sign3A_603 = arith.cmpi slt, %jit3A_590, %sign3A_602 : i32
        %sign3A_604 = arith.extui %sign3A_603 : i1 to i32
        %sign3A_605 = arith.subi %sign3A_601, %sign3A_604 : i32
        %ne3A_606 = arith.cmpi ne, %sign3A_598, %sign3A_605 : i32
        %rem3A_607 = arith.remsi %add3A_589, %jit3A_590 : i32
        %ne3A_608 = arith.constant 0 : i32
        %ne3A_609 = arith.cmpi ne, %rem3A_607, %ne3A_608 : i32
        %and3A_610 = arith.andi %ne3A_606, %ne3A_609 : i1
        %sub3A_611 = arith.constant 1 : i32
        %sub3A_612 = arith.subi %div3A_591, %sub3A_611 : i32
        %select_n3A_613 = arith.select %and3A_610, %sub3A_612, %div3A_591 : i32
        %jit3A_614 = arith.constant 16384 : i32
        %eq3A_615 = arith.constant 0 : i32
        %eq3A_616 = arith.cmpi eq, %jit3A_614, %eq3A_615 : i32
        %jit3A_617 = arith.constant 1 : i32
        %select_n3A_618 = arith.select %eq3A_616, %jit3A_617, %jit3A_614 : i32
        %rem3A_619 = arith.remsi %add3A_589, %select_n3A_618 : i32
        %ne3A_620 = arith.constant 0 : i32
        %ne3A_621 = arith.cmpi ne, %rem3A_619, %ne3A_620 : i32
        %lt3A_622 = arith.constant 0 : i32
        %lt3A_623 = arith.cmpi slt, %rem3A_619, %lt3A_622 : i32
        %lt3A_624 = arith.constant 0 : i32
        %lt3A_625 = arith.cmpi slt, %select_n3A_618, %lt3A_624 : i32
        %ne3A_626 = arith.xori %lt3A_623, %lt3A_625 : i1
        %and3A_627 = arith.andi %ne3A_626, %ne3A_621 : i1
        %add3A_628 = arith.addi %rem3A_619, %select_n3A_618 : i32
        %select_n3A_629 = arith.select %and3A_627, %add3A_628, %rem3A_619 : i32
        %dma_wait3A_630 = arith.constant 0 : i32
        %dma_wait3A_631 = tpu.memref_slice %arg5[%select_n3A_613, %select_n3A_629, %dma_wait3A_630] : memref<7x16384x64xf32, #tpu.memory_space<hbm>> -> memref<1x128x64xf32, #tpu.memory_space<hbm>>
        %dma_wait3A_632 = tpu.memref_squeeze %dma_wait3A_631 : memref<1x128x64xf32, #tpu.memory_space<hbm>> -> memref<128x64xf32, #tpu.memory_space<hbm>>
        %dma_wait3A_633 = arith.constant 0 : i32
        %dma_wait3A_634 = tpu.memref_slice %arg5[%select_n3A_613, %select_n3A_629, %dma_wait3A_633] : memref<7x16384x64xf32, #tpu.memory_space<hbm>> -> memref<1x128x64xf32, #tpu.memory_space<hbm>>
        %dma_wait3A_635 = tpu.memref_squeeze %dma_wait3A_634 : memref<1x128x64xf32, #tpu.memory_space<hbm>> -> memref<128x64xf32, #tpu.memory_space<hbm>>
        tpu.wait_dma2 semaphore(%arg17 : memref<!tpu.dma_semaphore, #tpu.memory_space<semaphore_mem>>) src(%arg9 : memref<128x64xf32, #tpu.memory_space<vmem>>) dst(%dma_wait3A_635 : memref<128x64xf32, #tpu.memory_space<hbm>>)
      } else {
      }
      %add3A_578 = arith.constant 2 : i32
      %add3A_579 = arith.addi %add3A_468, %add3A_578 : i32
      %lt3A_580 = arith.constant 28 : i32
      %lt3A_581 = arith.cmpi slt, %add3A_579, %lt3A_580 : i32
      %convert_element_type3A_582 = arith.extui %lt3A_581 : i1 to i32
      %cond3A_583 = arith.constant 0 : i32
      %cond3A_584 = arith.cmpi ne, %convert_element_type3A_582, %cond3A_583 : i32
      scf.if %cond3A_584 {
        %add3A_585 = arith.constant 2 : i32
        %add3A_586 = arith.addi %add3A_468, %add3A_585 : i32
        %dma_start3A_587 = arith.constant 0 : i32
        %dma_start3A_588 = tpu.memref_slice %arg6[%add3A_586, %dma_start3A_587] : memref<28x128xi32, #tpu.memory_space<vmem>> -> memref<1x128xi32, #tpu.memory_space<vmem>>
        %dma_start3A_589 = tpu.memref_squeeze %dma_start3A_588 : memref<1x128xi32, #tpu.memory_space<vmem>> -> memref<128xi32, #tpu.memory_space<vmem>>
        %dma_start3A_590 = arith.constant 0 : i32
        %dma_start3A_591 = arith.constant 0 : i32
        %dma_start3A_592 = tpu.memref_slice %arg4[%dma_start3A_590, %dma_start3A_591] : memref<1000000x64xf32, #tpu.memory_space<hbm>> -> memref<1000000x64xf32, #tpu.memory_space<hbm>>
        tpu.enqueue_indirect_dma source(%dma_start3A_592 : memref<1000000x64xf32, #tpu.memory_space<hbm>>) target(%arg9 : memref<128x64xf32, #tpu.memory_space<vmem>>) offsets(%dma_start3A_589 : memref<128xi32, #tpu.memory_space<vmem>>) semaphore(%arg13 : memref<!tpu.dma_semaphore, #tpu.memory_space<semaphore_mem>>)
      } else {
      }
    }
    %scan3A_22 = arith.constant 7 : i32
    %add3A_23 = arith.constant 3328 : i32
    %add3A_24 = arith.addi %mul3A_4, %add3A_23 : i32
    %jit3A = arith.constant 16384 : i32
    %div3A = arith.divsi %add3A_24, %jit3A : i32
    %sign3A = arith.constant 0 : i32
    %sign3A_25 = arith.cmpi sgt, %add3A_24, %sign3A : i32
    %sign3A_26 = arith.extui %sign3A_25 : i1 to i32
    %sign3A_27 = arith.constant 0 : i32
    %sign3A_28 = arith.cmpi slt, %add3A_24, %sign3A_27 : i32
    %sign3A_29 = arith.extui %sign3A_28 : i1 to i32
    %sign3A_30 = arith.subi %sign3A_26, %sign3A_29 : i32
    %sign3A_31 = arith.constant 0 : i32
    %sign3A_32 = arith.cmpi sgt, %jit3A, %sign3A_31 : i32
    %sign3A_33 = arith.extui %sign3A_32 : i1 to i32
    %sign3A_34 = arith.constant 0 : i32
    %sign3A_35 = arith.cmpi slt, %jit3A, %sign3A_34 : i32
    %sign3A_36 = arith.extui %sign3A_35 : i1 to i32
    %sign3A_37 = arith.subi %sign3A_33, %sign3A_36 : i32
    %ne3A = arith.cmpi ne, %sign3A_30, %sign3A_37 : i32
    %rem3A = arith.remsi %add3A_24, %jit3A : i32
    %ne3A_38 = arith.constant 0 : i32
    %ne3A_39 = arith.cmpi ne, %rem3A, %ne3A_38 : i32
    %and3A = arith.andi %ne3A, %ne3A_39 : i1
    %sub3A = arith.constant 1 : i32
    %sub3A_40 = arith.subi %div3A, %sub3A : i32
    %select_n3A = arith.select %and3A, %sub3A_40, %div3A : i32
    %jit3A_41 = arith.constant 16384 : i32
    %eq3A = arith.constant 0 : i32
    %eq3A_42 = arith.cmpi eq, %jit3A_41, %eq3A : i32
    %jit3A_43 = arith.constant 1 : i32
    %select_n3A_44 = arith.select %eq3A_42, %jit3A_43, %jit3A_41 : i32
    %rem3A_45 = arith.remsi %add3A_24, %select_n3A_44 : i32
    %ne3A_46 = arith.constant 0 : i32
    %ne3A_47 = arith.cmpi ne, %rem3A_45, %ne3A_46 : i32
    %lt3A = arith.constant 0 : i32
    %lt3A_48 = arith.cmpi slt, %rem3A_45, %lt3A : i32
    %lt3A_49 = arith.constant 0 : i32
    %lt3A_50 = arith.cmpi slt, %select_n3A_44, %lt3A_49 : i32
    %ne3A_51 = arith.xori %lt3A_48, %lt3A_50 : i1
    %and3A_52 = arith.andi %ne3A_51, %ne3A_47 : i1
    %add3A_53 = arith.addi %rem3A_45, %select_n3A_44 : i32
    %select_n3A_54 = arith.select %and3A_52, %add3A_53, %rem3A_45 : i32
    %dma_wait3A = arith.constant 0 : i32
    %dma_wait3A_55 = tpu.memref_slice %arg5[%select_n3A, %select_n3A_54, %dma_wait3A] : memref<7x16384x64xf32, #tpu.memory_space<hbm>> -> memref<1x128x64xf32, #tpu.memory_space<hbm>>
    %dma_wait3A_56 = tpu.memref_squeeze %dma_wait3A_55 : memref<1x128x64xf32, #tpu.memory_space<hbm>> -> memref<128x64xf32, #tpu.memory_space<hbm>>
    %dma_wait3A_57 = arith.constant 0 : i32
    %dma_wait3A_58 = tpu.memref_slice %arg5[%select_n3A, %select_n3A_54, %dma_wait3A_57] : memref<7x16384x64xf32, #tpu.memory_space<hbm>> -> memref<1x128x64xf32, #tpu.memory_space<hbm>>
    %dma_wait3A_59 = tpu.memref_squeeze %dma_wait3A_58 : memref<1x128x64xf32, #tpu.memory_space<hbm>> -> memref<128x64xf32, #tpu.memory_space<hbm>>
    tpu.wait_dma2 semaphore(%arg18 : memref<!tpu.dma_semaphore, #tpu.memory_space<semaphore_mem>>) src(%arg10 : memref<128x64xf32, #tpu.memory_space<vmem>>) dst(%dma_wait3A_59 : memref<128x64xf32, #tpu.memory_space<hbm>>)
    %add3A_60 = arith.constant 3456 : i32
    %add3A_61 = arith.addi %mul3A_4, %add3A_60 : i32
    %jit3A_62 = arith.constant 16384 : i32
    %div3A_63 = arith.divsi %add3A_61, %jit3A_62 : i32
    %sign3A_64 = arith.constant 0 : i32
    %sign3A_65 = arith.cmpi sgt, %add3A_61, %sign3A_64 : i32
    %sign3A_66 = arith.extui %sign3A_65 : i1 to i32
    %sign3A_67 = arith.constant 0 : i32
    %sign3A_68 = arith.cmpi slt, %add3A_61, %sign3A_67 : i32
    %sign3A_69 = arith.extui %sign3A_68 : i1 to i32
    %sign3A_70 = arith.subi %sign3A_66, %sign3A_69 : i32
    %sign3A_71 = arith.constant 0 : i32
    %sign3A_72 = arith.cmpi sgt, %jit3A_62, %sign3A_71 : i32
    %sign3A_73 = arith.extui %sign3A_72 : i1 to i32
    %sign3A_74 = arith.constant 0 : i32
    %sign3A_75 = arith.cmpi slt, %jit3A_62, %sign3A_74 : i32
    %sign3A_76 = arith.extui %sign3A_75 : i1 to i32
    %sign3A_77 = arith.subi %sign3A_73, %sign3A_76 : i32
    %ne3A_78 = arith.cmpi ne, %sign3A_70, %sign3A_77 : i32
    %rem3A_79 = arith.remsi %add3A_61, %jit3A_62 : i32
    %ne3A_80 = arith.constant 0 : i32
    %ne3A_81 = arith.cmpi ne, %rem3A_79, %ne3A_80 : i32
    %and3A_82 = arith.andi %ne3A_78, %ne3A_81 : i1
    %sub3A_83 = arith.constant 1 : i32
    %sub3A_84 = arith.subi %div3A_63, %sub3A_83 : i32
    %select_n3A_85 = arith.select %and3A_82, %sub3A_84, %div3A_63 : i32
    %jit3A_86 = arith.constant 16384 : i32
    %eq3A_87 = arith.constant 0 : i32
    %eq3A_88 = arith.cmpi eq, %jit3A_86, %eq3A_87 : i32
    %jit3A_89 = arith.constant 1 : i32
    %select_n3A_90 = arith.select %eq3A_88, %jit3A_89, %jit3A_86 : i32
    %rem3A_91 = arith.remsi %add3A_61, %select_n3A_90 : i32
    %ne3A_92 = arith.constant 0 : i32
    %ne3A_93 = arith.cmpi ne, %rem3A_91, %ne3A_92 : i32
    %lt3A_94 = arith.constant 0 : i32
    %lt3A_95 = arith.cmpi slt, %rem3A_91, %lt3A_94 : i32
    %lt3A_96 = arith.constant 0 : i32
    %lt3A_97 = arith.cmpi slt, %select_n3A_90, %lt3A_96 : i32
    %ne3A_98 = arith.xori %lt3A_95, %lt3A_97 : i1
    %and3A_99 = arith.andi %ne3A_98, %ne3A_93 : i1
    %add3A_100 = arith.addi %rem3A_91, %select_n3A_90 : i32
    %select_n3A_101 = arith.select %and3A_99, %add3A_100, %rem3A_91 : i32
    %dma_wait3A_102 = arith.constant 0 : i32
    %dma_wait3A_103 = tpu.memref_slice %arg5[%select_n3A_85, %select_n3A_101, %dma_wait3A_102] : memref<7x16384x64xf32, #tpu.memory_space<hbm>> -> memref<1x128x64xf32, #tpu.memory_space<hbm>>
    %dma_wait3A_104 = tpu.memref_squeeze %dma_wait3A_103 : memref<1x128x64xf32, #tpu.memory_space<hbm>> -> memref<128x64xf32, #tpu.memory_space<hbm>>
    %dma_wait3A_105 = arith.constant 0 : i32
    %dma_wait3A_106 = tpu.memref_slice %arg5[%select_n3A_85, %select_n3A_101, %dma_wait3A_105] : memref<7x16384x64xf32, #tpu.memory_space<hbm>> -> memref<1x128x64xf32, #tpu.memory_space<hbm>>
    %dma_wait3A_107 = tpu.memref_squeeze %dma_wait3A_106 : memref<1x128x64xf32, #tpu.memory_space<hbm>> -> memref<128x64xf32, #tpu.memory_space<hbm>>
    tpu.wait_dma2 semaphore(%arg19 : memref<!tpu.dma_semaphore, #tpu.memory_space<semaphore_mem>>) src(%arg11 : memref<128x64xf32, #tpu.memory_space<vmem>>) dst(%dma_wait3A_107 : memref<128x64xf32, #tpu.memory_space<hbm>>)
    return
  }
}

</mosaic_0001>

<sc_bundles>
// kernel: kernel.3.cloned.1.call-start
scs
__scs_entry_jumppad:
0x0: {  	(pc) =	sbr.rel $0x88, $3  }
0x1: {  	(tag) =	ssettag $0x0;
	lr =	simm.s32 $0x1  }
0x2: {  	[smem:$0x3F9E] =	sst lr;
	_ =	strace $0xD0000000  }
0x3: {  	_ = 	snop  }
0x4: {  	_ = 	snop  }
0x5: {  	_ = 	snop  }
0x6: {  	_ = 	snop  }
0x7: {  	_ = 	snop  }
__scs_overlays_trampoline_lowered:
0x8: {  	[smem:$0x3FAD] =	sst s0  }
0x9: {  	[smem:$0x3FAE] =	sst s1  }
0xa: {  	[smem:$0x3FAF] =	sst s2  }
0xb: {  	[smem:$0x3FB0] =	sst s3  }
0xc: {  	[smem:$0x3FB1] =	sst s4  }
0xd: {  	[smem:$0x3FB2] =	sst s5  }
0xe: {  	[smem:$0x3FB3] =	sst s6  }
0xf: {  	[smem:$0x3FB4] =	sst s7  }
0x10: {  	[smem:$0x3FB5] =	sst s8  }
0x11: {  	[smem:$0x3FB6] =	sst s9;
	s0 =	simm.s32 @!p0 $0x0  }
0x12: {  	s1 =	sld [smem:$0x3F9C];
	s0 =	simm.s32 @p0 $0x1  }
0x13: {  	[smem:$0x3FB7] =	sst s0;
	s0 =	simm.s32 @!p1 $0x0  }
0x14: {  	s2 =	sld [smem:$0x3F9B];
	s0 =	simm.s32 @p1 $0x1  }
0x15: {  	[smem:$0x3FB8] =	sst s0;
	s0 =	simm.s32 @!p2 $0x0  }
0x16: {  	s3 =	sld [smem:$0x3FDB];
	s0 =	simm.s32 @p2 $0x1  }
0x17: {  	s4 =	simm.s32 $0x1BF5;
	[smem:$0x3FBA] =	sst s0  }
0x18: {  	s0 =	sld [smem:$0x3F9D];
	_ =	swait.ge [sflag:s4], $0x0  }
0x19: {  	s7 =	sld [smem:$0x3F9E]  }
0x1a: {  	s8 =	sadd.s32 $0xFFFFE003, lr  }
0x1b: {  	s9 =	sadd.s32 $0xFFFFFEF7, lr;
	s5 =	simm.s32 $0xFFFFFFFF;
	p2 =	slt.u32 s8, $0xFFFFF086  }
0x1c: {  	p1 =	slt.u32 s9, $0xF7A;
	s5 =	simm.s32 @!p2 $0x0  }
0x1d: {  	s5 =	simm.s32 @p1 $0x1;
	p0 =	seq.s32 s7, s2  }
0x1e: {  	s7 =	smul.u32 @!p0 $0xF7A, s2;
	p2 =	seq.s32 @!p0 s5, $0x0  }
0x1f: {  	s9 =	smul.u32 $0xF7A, s1;
	s8 =	simm.s32 @!p0 $0x1BF5;
	p2 =	por !p2, p0  }
0x20: {  	[sflag:s8] =	ssyncset.s32 @!p0 $0xFFFFF086;
	s6 =	sadd.s32 @!p0 s3, s7;
	s7 =	simm.s32 @!p0 $0x108  }
0x21: {  	s3 =	sadd.s32 s3, s9;
	s6 =	sadd.s32 @!p0 $0x88, s6;
	s7 =	simm.s32 @p2 $0x1082  }
0x22: {  	[simem:s7], [sflag:s8] =	dma.local @!p0 [hbm:s6], $0xF7A  }
0x23: {  	s9 =	sor.u32 $0xD0000000, s2;
	s6 =	simm.s32 $0x108;
	_ =	swait.ge @!p0 [sflag:s8], $0x0  }
0x24: {  	s3 =	sadd.s32 $0x88, s3;
	s6 =	simm.s32 @!p1 $0x1082;
	[sflag:s4] =	ssyncset.s32 $0xFFFFF086  }
0x25: {  	[simem:s6], [sflag:s4] =	dma.local [hbm:s3], $0xF7A  }
0x26: {  	[smem:$0x3F9E] =	sst s1;
	(tag) =	ssettag s2;
	_ =	strace s9  }
0x27: {  	s1 =	sld [smem:$0x3FAE]  }
0x28: {  	s2 =	sld [smem:$0x3FAF]  }
0x29: {  	s4 =	sld [smem:$0x3FB1]  }
0x2a: {  	p0 =	seq.s32 s5, $0x0;
	s5 =	sld [smem:$0x3FB2]  }
0x2b: {  	s6 =	sld [smem:$0x3FB3]  }
0x2c: {  	s7 =	sld [smem:$0x3FB4]  }
0x2d: {  	s3 =	simm.s32 $0x108;
	s8 =	sld [smem:$0x3FB5]  }
0x2e: {  	s3 =	simm.s32 @!p0 $0x1082;
	s9 =	sld [smem:$0x3FB6]  }
0x2f: {  	lr =	sadd.s32 s0, s3;
	s0 =	sld [smem:$0x3FAD]  }
0x30: {  	s3 =	sld [smem:$0x3FB0]  }
0x31: {  	[smem:$0x3FB9] =	sst s10  }
0x32: {  	s10 =	sld [smem:$0x3FB7];
	_ =	sdelay $0x3  }
0x33: {  	p0 =	seq.s32 s10, $0x1;
	s10 =	sld [smem:$0x3FB9];
	_ =	sdelay $0x3  }
0x34: {  	[smem:$0x3FB9] =	sst s10  }
0x35: {  	s10 =	sld [smem:$0x3FB8];
	_ =	sdelay $0x3  }
0x36: {  	p1 =	seq.s32 s10, $0x1;
	s10 =	sld [smem:$0x3FB9];
	_ =	sdelay $0x3  }
0x37: {  	[smem:$0x3FB9] =	sst s10  }
0x38: {  	s10 =	sld [smem:$0x3FBA]  }
0x39: {  	_ = 	snop;
	(pc) =	sbr.ind lr, $3  }
0x3a: {  	_ = 	snop  }
0x3b: {  	_ = 	snop  }
0x3c: {  	p2 =	seq.s32 s10, $0x1;
	s10 =	sld [smem:$0x3FB9]  }
0x3d: {  	_ =	shalt  }
0x3e: {  	_ =	shalt  }
0x3f: {  	_ =	shalt  }
0x40: {  	_ =	shalt  }
0x41: {  	_ =	shalt  }
0x42: {  	_ =	shalt  }
0x43: {  	_ =	shalt  }
0x44: {  	_ =	shalt  }
0x45: {  	_ =	shalt  }
0x46: {  	_ =	shalt  }
0x47: {  	_ =	shalt  }
0x48: {  	_ =	shalt  }
0x49: {  	_ =	shalt  }
0x4a: {  	_ =	shalt  }
0x4b: {  	_ =	shalt  }
0x4c: {  	_ =	shalt  }
0x4d: {  	_ =	shalt  }
0x4e: {  	_ =	shalt  }
0x4f: {  	_ =	shalt  }
0x50: {  	_ =	shalt  }
0x51: {  	_ =	shalt  }
0x52: {  	_ =	shalt  }
0x53: {  	_ =	shalt  }
0x54: {  	_ =	shalt  }
0x55: {  	_ =	shalt  }
0x56: {  	_ =	shalt  }
0x57: {  	_ =	shalt  }
0x58: {  	_ =	shalt  }
0x59: {  	_ =	shalt  }
0x5a: {  	_ =	shalt  }
0x5b: {  	_ =	shalt  }
0x5c: {  	_ =	shalt  }
0x5d: {  	_ =	shalt  }
0x5e: {  	_ =	shalt  }
0x5f: {  	_ =	shalt  }
0x60: {  	_ =	shalt  }
0x61: {  	_ =	shalt  }
0x62: {  	_ =	shalt  }
0x63: {  	_ =	shalt  }
0x64: {  	_ =	shalt  }
0x65: {  	_ =	shalt  }
0x66: {  	_ =	shalt  }
0x67: {  	_ =	shalt  }
0x68: {  	_ =	shalt  }
0x69: {  	_ =	shalt  }
0x6a: {  	_ =	shalt  }
0x6b: {  	_ =	shalt  }
0x6c: {  	_ =	shalt  }
0x6d: {  	_ =	shalt  }
0x6e: {  	_ =	shalt  }
0x6f: {  	_ =	shalt  }
0x70: {  	_ =	shalt  }
0x71: {  	_ =	shalt  }
0x72: {  	_ =	shalt  }
0x73: {  	_ =	shalt  }
0x74: {  	_ =	shalt  }
0x75: {  	_ =	shalt  }
0x76: {  	_ =	shalt  }
0x77: {  	_ =	shalt  }
0x78: {  	_ =	shalt  }
0x79: {  	_ =	shalt  }
0x7a: {  	_ =	shalt  }
0x7b: {  	_ =	shalt  }
0x7c: {  	_ =	shalt  }
0x7d: {  	_ =	shalt  }
0x7e: {  	_ =	shalt  }
0x7f: {  	_ =	shalt  }
0x80: {  	_ =	shalt  }
0x81: {  	_ =	shalt  }
0x82: {  	_ =	shalt  }
0x83: {  	_ =	shalt  }
0x84: {  	_ =	shalt  }
0x85: {  	_ =	shalt  }
0x86: {  	_ =	shalt  }
0x87: {  	_ =	shalt  }
.Lfunc_end0:
.L_simem_size_0:
called_computation_lowered:
.L_overlay_start_0:
0x88: {  	s2 =	sld [smem:$0x3FD9]  }
0x89: {  	s3 =	sld [smem:$0x3FFE];
	_ =	sdelay $0x1  }
0x8a: {  	s1 =	srdreg.scid  }
0x8b: {  	s0 =	sand.u32 $0x1, s1  }
0x8c: {  	s17 =	sshll.u32 s0, $0xA;
	s2 =	sadd.s32 s3, s2  }
0x8d: {  	s2 =	sadd.s32 s2, s17  }
0x8e: {  	[smem:$0x3FC5] =	sst s2  }
0x8f: {  	_ = 	snop  }
0x90: {  	s2 =	sld [smem:$0x3FD0];
	(tm) =	ssettm $0x1  }
0x91: {  	s18 =	sld [smem:$0x3FFB];
	_ =	sdelay $0x3  }
0x92: {  	_ =	strace s18  }
0x93: {  	s3 =	sld [smem:$0x3FFC];
	_ =	sdelay $0x3  }
0x94: {  	_ =	strace s3  }
0x95: {  	s3 =	sld [smem:$0x3FFD];
	_ =	sdelay $0x3  }
0x96: {  	_ =	strace s3  }
0x97: {  	_ =	strace $0x8FFFFFFF  }
0x98: {  	s19 =	sld [smem:$0x3FDB];
	_ =	sdelay $0x1  }
0x99: {  	s4 =	simm.s32 $_scs_section_size  }
0x9a: {  	s5 =	simm.s32 $_size__tile_overlayer_lowered;
	s6 =	simm.s32 $_tile_overlayer_lowered  }
0x9b: {  	s22 =	simm.s32 $0x1BFF;
	s21 =	sshll.u32 s6, $0x1;
	s3 =	sadd.s32 s4, s19  }
0x9c: {  	s7 =	simm.s32 $0x0;
	s20 =	sshll.u32 s5, $0x1;
	s5 =	sadd.s32 s21, s3  }
0x9d: {  	[timem:s7], [sflag:s22] =	dma.local [hbm:s5], s20  }
0x9e: {  	_ =	swait.ge [sflag:s22], s20  }
0x9f: {  	s4 =	ssub.s32 $0x0, s20;
	[sflag:s22] =	ssyncset.done $0x0  }
0xa0: {  	[sflag:s22] =	ssyncadd.s32 s4;
	_ =	sdelay $0x1  }
0xa1: {  	s23 =	simm.s32 $0x1B8B  }
0xa2: {  	_ =	swait.ge [sflag:s23], $0x1  }
0xa3: {  	[sflag:s23] =	ssyncset.done $0x0  }
0xa4: {  	s25 =	simm.s32 $0x1B8E;
	s24 =	sld [smem:$0x3FFE];
	[sflag:s23] =	ssyncadd.s32 $0xFFFFFFFF  }
0xa5: {  	s26 =	simm.s32 $execute0_lowered;
	[smem:$0x3FD2] =	sst s25  }
0xa6: {  	s5 =	sshll.u32 s26, $0x1;
	_ =	strace $0x80000046;
	[dreg:$0x1] =	wrdreg $0xFFFFFFFF  }
0xa7: {  	s28 =	simm.s32 $_size_execute0_lowered;
	s3 =	sadd.s32 s3, s5;
	[dreg:$0x0] =	wrdreg $0x0  }
0xa8: {  	s5 =	sshll.u32 s28, $0x1;
	[dreg:$0x2] =	wrdreg s3  }
0xa9: {  	[dreg:$0x3] =	wrdreg s5  }
0xaa: {  	[dreg:$0x4] =	wrdreg $0xC0  }
0xab: {  	_ =	task [dreg:s7], $0x5FFFF  }
0xac: {  	[dreg:$0x1] =	wrdreg $0xFFFFFFFF  }
0xad: {  	[dreg:$0x0] =	wrdreg $0x60  }
0xae: {  	[dreg:$0x2] =	wrdreg s24  }
0xaf: {  	[dreg:$0x3] =	wrdreg s2  }
0xb0: {  	[dreg:$0x4] =	wrdreg $0x9  }
0xb1: {  	_ =	task.clear_ibuf [dreg:s7], $0x5FFFF;
	_ =	strace $0x90000046  }
0xb2: {  	s29 =	simm.s32 $0x9;
	_ =	strace $0x80000048  }
0xb3: {  	_ =	swait.ge [sflag:s29], $0x1  }
0xb4: {  	[sflag:s29] =	ssyncadd.s32 $0xFFFFFFFF  }
0xb5: {  	_ =	strace $0x90000048  }
0xb6: {  	_ =	sfence  }
0xb7: {  	s30 =	sld [smem:$0x0];
	_ =	sdelay $0x2  }
0xb8: {  	s31 =	sshll.u32 s1, $0xD;
	s1 =	sshrl.u32 s1, $0x2  }
0xb9: {  	s3 =	sand.u32 $0x4000, s31;
	s1 =	sadd.s32 s1, s30  }
0xba: {  	s0 =	sor.u32 s3, s0;
	s1 =	sshll.u32 s1, $0x11  }
0xbb: {  	s0 =	sor.u32 s1, s0  }
0xbc: {  	s0 =	sadd.s32 $0x8F2B, s0  }
0xbd: {  	[sflag:s0] =	ssyncadd.remote.s32 $0x1  }
0xbe: {  	_ =	sfence.sel $0xFFFF  }
0xbf: {  	[dreg:$0x0] =	wrdreg $0xFFFFFFFF;
	(pc) =	sbr.abs _section_cstart, $3  }
0xc0: {  	[dreg:$0x1] =	wrdreg $0xFFFFFFFF  }
0xc1: {  	_ =	task.clear_ibuf [dreg:s7], $0x2FFFF;
	_ =	strace $0x9FFFFFFF  }
0xc2: {  	(tm) =	ssettm $0x7FFFFFFF  }
0xc3: {  	_ =	shalt  }
tec
execute0_lowered:
.L_overlay_start_1:
0x0: {  	(tag) =	ssettag $0x1  }
0x1: {  	s0 =	srdreg.scid  }
0x2: {  	s1 =	stileid.u32;
	s6 =	rddreg [dreg:$0x0]  }
0x3: {  	s2 =	rddreg [dreg:$0x1];
	s4 =	simm.s32 $0x0;
	s9 =	simm.s32 $0x9  }
0x4: {  	s11 =	simm.s32 $0x80;
	s12 =	simm.s32 $0xFC0;
	s13 =	simm.s32 $0x2FC0  }
0x5: {  	s14 =	simm.s32 $0x1;
	s15 =	simm.s32 $0x4FC0;
	s16 =	simm.s32 $0x2  }
0x6: {  	s17 =	simm.s32 $0x6FC0;
	s0 =	sand.u32 $0x1, s0;
	s1 =	sshll.u32 s1, $0x1  }
0x7: {  	s18 =	simm.s32 $0x3;
	s19 =	simm.s32 $0x5;
	s1 =	sor.u32 s0, s1  }
0x8: {  	s20 =	simm.s32 $0x4;
	s21 =	simm.s32 $0x6;
	s3 =	smul.u32 $0xE00, s1  }
.Ltmp0:
0x9: {  	s22 =	simm.s32 $0x7;
	s23 =	simm.s32 $0x8;
	(pc) =	sbr.rel .LBB2_1-.Ltmp0, $4  }
0xa: {  	s24 =	simm.s32 $0x0;
	[smem:$0x7FF] =	sst s4;
	s0 =	ssub.s32 $0x2, s0  }
0xb: {  	s5 =	sadd.s32 $0x4000, s6;
	s7 =	sshrl.u32 s0, $0x1;
	s1 =	sshrl.u32 s3, $0x3  }
0xc: {  	_ =	strace $0x80000047;
	s0 =	ssub.s32 s0, s7;
	s1 =	sadd.s32 s1, s6  }
0xd: {  	s8 =	smax.u32 s0, $0x1;
	s6 =	sadd.s32 $0xF42C00, s6;
	s7 =	sadd.s32 $0x800, s1  }
.LBB2_12:
0xe: {  	s24 =	sadd.s32 $0x1, s24  }
0xf: {  	_ =	swait.ge [sflag:s22], $0x2000;
	p0 =	sne.s32 s24, s8  }
.Ltmp1:
0x10: {  	[sflag:s22] =	ssyncset.done $0x0;
	(pc) =	sbr.rel @!p0 .LBB2_13-.Ltmp1, $4  }
0x11: {  	[sflag:s22] =	ssyncadd.s32 $0xFFFFE000  }
0x12: {  	_ =	swait.ge [sflag:s23], $0x2000  }
0x13: {  	[sflag:s23] =	ssyncset.done $0x0  }
0x14: {  	[sflag:s23] =	ssyncadd.s32 $0xFFFFE000  }
.LBB2_1:
0x15: {  	[tilespmem:s4], [sflag:$0x9] =	stream.linear.gather [hbm4b:s7+s4], $0xE00, $0x38;
	[tilespmem:$0x8FC0] =	vst v63  }
0x16: {  	_ =	swait.ge [sflag:s9], $0xE00  }
0x17: {  	[sflag:s9] =	ssyncset.done $0x0  }
0x18: {  	s0 =	simm.s32 $0xE00;
	[sflag:s9] =	ssyncadd.s32 $0xFFFFF200  }
0x19: {  	[tilespmem:s0], [sflag:$0x9] =	stream.linear.gather [hbm4b:s5+s4], $0x1C0, $0x38;
	[tilespmem:$0x8FC0] =	vst v63  }
0x1a: {  	_ =	swait.ge [sflag:s9], $0x1C0  }
0x1b: {  	[sflag:s9] =	ssyncset.done $0x0  }
0x1c: {  	[sflag:s9] =	ssyncadd.s32 $0xFFFFFE40  }
0x1d: {  	[tilespmem:s12], [sflag:$0x1] =	stream.indirect.gather [hbm4b:s6+s11], $0x40, s4, s11, $0xb8;
	[tilespmem:$0x8FC0] =	vst v63  }
0x1e: {  	s25 =	simm.s32 $0x0  }
0x1f: {  	[tilespmem:s13], [sflag:$0x2] =	stream.indirect.gather [hbm4b:s6+s11], $0x40, s11, s11, $0xb8;
	[tilespmem:$0x8FC0] =	vst v63  }
.LBB2_2:
0x20: {  	_ =	swait.ge [sflag:s14], $0x2000  }
0x21: {  	[sflag:s14] =	ssyncset.done $0x0  }
0x22: {  	s26 =	sshll.u32 s25, $0x9;
	s30 =	simm.s32 $0x0;
	[sflag:s14] =	ssyncadd.s32 $0xFFFFE000  }
0x23: {  	s29 =	sadd.s32 s3, s26;
	v4 =	vld [tilespmem:s30+$0xFC0]  }
0x24: {  	s28 =	sshrl.u32 s29, $0xE;
	v6 =	vld [tilespmem:s30+$0xFD0]  }
0x25: {  	s0 =	sshll.u32 s28, $0x6;
	v5 =	vld [tilespmem:s30+$0xFE0]  }
0x26: {  	v2 =	vld [tilespmem:s0+$0xE00]  }
0x27: {  	v3 =	vld [tilespmem:s0+$0xE10]  }
0x28: {  	v1 =	vld [tilespmem:s0+$0xE20]  }
0x29: {  	s1 =	simm.s32 $0x100;
	v0 =	vld [tilespmem:s0+$0xE30]  }
.LBB2_3:
0x2a: {  	p0 =	sne.s32 s1, $0x7F00;
	v7 =	vld [tilespmem:s30+$0xFF0];
	_ =	sdelay $0x1  }
0x2b: {  	v4 =	vadd.f32 v4, v2  }
.Ltmp2:
0x2c: {  	v6 =	vadd.f32 v6, v3;
	(pc) =	sbr.rel @p0 .LBB2_3-.Ltmp2, $4  }
0x2d: {  	s0 =	sshra.s32 s1, $0x2;
	[tilespmem:s30+$0xFC0] =	vst v4;
	v5 =	vadd.f32 v5, v1  }
0x2e: {  	v4 =	vld [tilespmem:s0+$0xFC0];
	[tilespmem:s30+$0xFD0] =	vst v6;
	v7 =	vadd.f32 v7, v0  }
0x2f: {  	v6 =	vld [tilespmem:s0+$0xFD0];
	[tilespmem:s30+$0xFE0] =	vst v5  }
0x30: {  	s1 =	sadd.s32 $0x100, s1;
	v5 =	vld [tilespmem:s0+$0xFE0];
	[tilespmem:s30+$0xFF0] =	vst v7;
	s30 =	smov.u32 s0  }
0x31: {  	v7 =	vld [tilespmem:s30+$0xFF0];
	_ =	sdelay $0x1  }
0x32: {  	v2 =	vadd.f32 v4, v2  }
0x33: {  	v3 =	vadd.f32 v6, v3  }
0x34: {  	s0 =	sshll.u32 s29, $0x3;
	[tilespmem:s30+$0xFC0] =	vst v2;
	v1 =	vadd.f32 v5, v1  }
0x35: {  	s0 =	sand.u32 $0x1F000, s0;
	[tilespmem:s30+$0xFD0] =	vst v3;
	v0 =	vadd.f32 v7, v0  }
0x36: {  	s1 =	sshll.u32 s28, $0x11;
	s0 =	sadd.s32 s2, s0;
	[tilespmem:s30+$0xFE0] =	vst v1  }
0x37: {  	p0 =	seq.s32 s25, $0x0;
	s0 =	sadd.s32 s1, s0;
	[tilespmem:s30+$0xFF0] =	vst v0  }
0x38: {  	[hbm4b:s0+s4] =	stream.linear.scatter [tilespmem:s12], [sflag:$0x5], $0x2000, $0x38;
	[tilespmem:$0x8FC0] =	vst v63  }
0x39: {  	s28 =	sshll.u32 s25, $0x2;
	s0 =	simm.s32 @!p0 $0x7  }
0x3a: {  	s10 =	sor.u32 $0x2, s28;
	_ =	swait.ge @!p0 [sflag:s0], $0x2000  }
0x3b: {  	s29 =	sshll.u32 s10, $0x7;
	[sflag:s0] =	ssyncset.done @!p0 $0x0  }
0x3c: {  	s10 =	sand.u32 $0x3FFFFF80, s29;
	s1 =	sadd.s32 s26, s3;
	[sflag:s0] =	ssyncadd.s32 @!p0 $0xFFFFE000  }
0x3d: {  	[tilespmem:s15], [sflag:$0x3] =	stream.indirect.gather [hbm4b:s6+s11], $0x40, s10, s11, $0xb8;
	[tilespmem:$0x8FC0] =	vst v63  }
0x3e: {  	s31 =	sadd.s32 $0x80, s1;
	_ =	swait.ge [sflag:s16], $0x2000  }
0x3f: {  	s30 =	sshrl.u32 s31, $0xE;
	[sflag:s16] =	ssyncset.done $0x0  }
0x40: {  	s10 =	sshll.u32 s30, $0x6;
	[sflag:s16] =	ssyncadd.s32 $0xFFFFE000  }
0x41: {  	v2 =	vld [tilespmem:s10+$0xE00]  }
0x42: {  	v3 =	vld [tilespmem:s10+$0xE10]  }
0x43: {  	v1 =	vld [tilespmem:s10+$0xE20]  }
0x44: {  	s1 =	simm.s32 $0x0;
	v0 =	vld [tilespmem:s10+$0xE30]  }
0x45: {  	v4 =	vld [tilespmem:s1+$0x2FC0]  }
0x46: {  	v6 =	vld [tilespmem:s1+$0x2FD0]  }
0x47: {  	s0 =	simm.s32 $0x100;
	v5 =	vld [tilespmem:s1+$0x2FE0]  }
.LBB2_5:
0x48: {  	p1 =	sne.s32 s0, $0x7F00;
	v7 =	vld [tilespmem:s1+$0x2FF0];
	_ =	sdelay $0x1  }
0x49: {  	v4 =	vadd.f32 v4, v2  }
.Ltmp3:
0x4a: {  	v6 =	vadd.f32 v6, v3;
	(pc) =	sbr.rel @p1 .LBB2_5-.Ltmp3, $4  }
0x4b: {  	s10 =	sshra.s32 s0, $0x2;
	[tilespmem:s1+$0x2FC0] =	vst v4;
	v5 =	vadd.f32 v5, v1  }
0x4c: {  	v4 =	vld [tilespmem:s10+$0x2FC0];
	[tilespmem:s1+$0x2FD0] =	vst v6;
	v7 =	vadd.f32 v7, v0  }
0x4d: {  	v6 =	vld [tilespmem:s10+$0x2FD0];
	[tilespmem:s1+$0x2FE0] =	vst v5  }
0x4e: {  	s0 =	sadd.s32 $0x100, s0;
	v5 =	vld [tilespmem:s10+$0x2FE0];
	[tilespmem:s1+$0x2FF0] =	vst v7;
	s1 =	smov.u32 s10  }
0x4f: {  	v7 =	vld [tilespmem:s1+$0x2FF0];
	_ =	sdelay $0x1  }
0x50: {  	v2 =	vadd.f32 v4, v2  }
0x51: {  	v3 =	vadd.f32 v6, v3  }
0x52: {  	s0 =	sshll.u32 s31, $0x3;
	[tilespmem:s1+$0x2FC0] =	vst v2;
	v1 =	vadd.f32 v5, v1  }
0x53: {  	s0 =	sand.u32 $0x1F400, s0;
	[tilespmem:s1+$0x2FD0] =	vst v3;
	v0 =	vadd.f32 v7, v0  }
0x54: {  	s10 =	sshll.u32 s30, $0x11;
	s0 =	sadd.s32 s2, s0;
	[tilespmem:s1+$0x2FE0] =	vst v1  }
0x55: {  	s0 =	sadd.s32 s10, s0;
	[tilespmem:s1+$0x2FF0] =	vst v0  }
0x56: {  	[hbm4b:s0+s4] =	stream.linear.scatter [tilespmem:s13], [sflag:$0x6], $0x2000, $0x38;
	[tilespmem:$0x8FC0] =	vst v63  }
0x57: {  	s0 =	simm.s32 @!p0 $0x8  }
0x58: {  	s31 =	sor.u32 $0x3, s28;
	_ =	swait.ge @!p0 [sflag:s0], $0x2000  }
0x59: {  	s28 =	sshll.u32 s31, $0x7;
	[sflag:s0] =	ssyncset.done @!p0 $0x0  }
0x5a: {  	s10 =	sand.u32 $0x3FFFFF80, s28;
	[sflag:s0] =	ssyncadd.s32 @!p0 $0xFFFFE000  }
0x5b: {  	[tilespmem:s17], [sflag:$0x4] =	stream.indirect.gather [hbm4b:s6+s11], $0x40, s10, s11, $0xb8;
	[tilespmem:$0x8FC0] =	vst v63  }
0x5c: {  	s30 =	sadd.s32 s3, s29;
	_ =	swait.ge [sflag:s18], $0x2000  }
0x5d: {  	s29 =	sshrl.u32 s30, $0xE;
	[sflag:s18] =	ssyncset.done $0x0  }
0x5e: {  	s31 =	sshll.u32 s29, $0x6;
	[sflag:s18] =	ssyncadd.s32 $0xFFFFE000  }
0x5f: {  	v2 =	vld [tilespmem:s31+$0xE00]  }
0x60: {  	v3 =	vld [tilespmem:s31+$0xE10]  }
0x61: {  	v1 =	vld [tilespmem:s31+$0xE20]  }
0x62: {  	s1 =	simm.s32 $0x0;
	v0 =	vld [tilespmem:s31+$0xE30]  }
0x63: {  	v4 =	vld [tilespmem:s1+$0x4FC0]  }
0x64: {  	v6 =	vld [tilespmem:s1+$0x4FD0]  }
0x65: {  	s0 =	simm.s32 $0x100;
	v5 =	vld [tilespmem:s1+$0x4FE0]  }
.LBB2_7:
0x66: {  	p0 =	sne.s32 s0, $0x7F00;
	v7 =	vld [tilespmem:s1+$0x4FF0];
	_ =	sdelay $0x1  }
0x67: {  	v4 =	vadd.f32 v4, v2  }
.Ltmp4:
0x68: {  	v6 =	vadd.f32 v6, v3;
	(pc) =	sbr.rel @p0 .LBB2_7-.Ltmp4, $4  }
0x69: {  	s10 =	sshra.s32 s0, $0x2;
	[tilespmem:s1+$0x4FC0] =	vst v4;
	v5 =	vadd.f32 v5, v1  }
0x6a: {  	v4 =	vld [tilespmem:s10+$0x4FC0];
	[tilespmem:s1+$0x4FD0] =	vst v6;
	v7 =	vadd.f32 v7, v0  }
0x6b: {  	v6 =	vld [tilespmem:s10+$0x4FD0];
	[tilespmem:s1+$0x4FE0] =	vst v5  }
0x6c: {  	s0 =	sadd.s32 $0x100, s0;
	v5 =	vld [tilespmem:s10+$0x4FE0];
	[tilespmem:s1+$0x4FF0] =	vst v7;
	s1 =	smov.u32 s10  }
0x6d: {  	v7 =	vld [tilespmem:s1+$0x4FF0];
	_ =	sdelay $0x1  }
0x6e: {  	v2 =	vadd.f32 v4, v2  }
0x6f: {  	v3 =	vadd.f32 v6, v3  }
0x70: {  	s0 =	sshll.u32 s30, $0x3;
	[tilespmem:s1+$0x4FC0] =	vst v2;
	v1 =	vadd.f32 v5, v1  }
0x71: {  	s0 =	sand.u32 $0x1F800, s0;
	[tilespmem:s1+$0x4FD0] =	vst v3;
	v0 =	vadd.f32 v7, v0  }
0x72: {  	s10 =	sshll.u32 s29, $0x11;
	s0 =	sadd.s32 s2, s0;
	[tilespmem:s1+$0x4FE0] =	vst v1  }
0x73: {  	p0 =	seq.s32 s25, $0x6;
	s0 =	sadd.s32 s10, s0;
	[tilespmem:s1+$0x4FF0] =	vst v0  }
0x74: {  	[hbm4b:s0+s4] =	stream.linear.scatter [tilespmem:s15], [sflag:$0x7], $0x2000, $0x38;
	[tilespmem:$0x8FC0] =	vst v63  }
0x75: {  	s0 =	sshll.u32 @!p0 s25, $0x9;
	_ =	swait.ge [sflag:s19], $0x2000  }
0x76: {  	s10 =	simm.s32 @!p0 $0xFC0;
	s0 =	sand.u32 @!p0 $0x3FFFFE00, s0;
	[sflag:s19] =	ssyncset.done $0x0  }
0x77: {  	s1 =	simm.s32 @!p0 $0x80;
	s0 =	sadd.s32 @!p0 $0x200, s0;
	[sflag:s19] =	ssyncadd.s32 $0xFFFFE000  }
0x78: {  	[tilespmem:s10], [sflag:$0x1] =	stream.indirect.gather @!p0 [hbm4b:s6+s1], $0x40, s0, s1, $0xb8;
	[tilespmem:$0x8FC0] =	vst v63  }
0x79: {  	s29 =	sadd.s32 s3, s28;
	_ =	swait.ge [sflag:s20], $0x2000  }
0x7a: {  	s28 =	sshrl.u32 s29, $0xE;
	[sflag:s20] =	ssyncset.done $0x0  }
0x7b: {  	s31 =	sshll.u32 s28, $0x6;
	[sflag:s20] =	ssyncadd.s32 $0xFFFFE000  }
0x7c: {  	v2 =	vld [tilespmem:s31+$0xE00]  }
0x7d: {  	v3 =	vld [tilespmem:s31+$0xE10]  }
0x7e: {  	v1 =	vld [tilespmem:s31+$0xE20]  }
0x7f: {  	s1 =	simm.s32 $0x0;
	v0 =	vld [tilespmem:s31+$0xE30]  }
0x80: {  	v4 =	vld [tilespmem:s1+$0x6FC0]  }
0x81: {  	v6 =	vld [tilespmem:s1+$0x6FD0]  }
0x82: {  	s0 =	simm.s32 $0x100;
	v5 =	vld [tilespmem:s1+$0x6FE0]  }
.LBB2_9:
0x83: {  	p1 =	sne.s32 s0, $0x7F00;
	v7 =	vld [tilespmem:s1+$0x6FF0];
	_ =	sdelay $0x1  }
0x84: {  	v4 =	vadd.f32 v4, v2  }
.Ltmp5:
0x85: {  	v6 =	vadd.f32 v6, v3;
	(pc) =	sbr.rel @p1 .LBB2_9-.Ltmp5, $4  }
0x86: {  	s10 =	sshra.s32 s0, $0x2;
	[tilespmem:s1+$0x6FC0] =	vst v4;
	v5 =	vadd.f32 v5, v1  }
0x87: {  	v4 =	vld [tilespmem:s10+$0x6FC0];
	[tilespmem:s1+$0x6FD0] =	vst v6;
	v7 =	vadd.f32 v7, v0  }
0x88: {  	v6 =	vld [tilespmem:s10+$0x6FD0];
	[tilespmem:s1+$0x6FE0] =	vst v5  }
0x89: {  	s0 =	sadd.s32 $0x100, s0;
	v5 =	vld [tilespmem:s10+$0x6FE0];
	[tilespmem:s1+$0x6FF0] =	vst v7;
	s1 =	smov.u32 s10  }
0x8a: {  	v7 =	vld [tilespmem:s1+$0x6FF0];
	_ =	sdelay $0x1  }
0x8b: {  	v2 =	vadd.f32 v4, v2  }
0x8c: {  	v3 =	vadd.f32 v6, v3  }
0x8d: {  	s0 =	sshll.u32 s29, $0x3;
	[tilespmem:s1+$0x6FC0] =	vst v2;
	v1 =	vadd.f32 v5, v1  }
0x8e: {  	s0 =	sand.u32 $0x1FC00, s0;
	[tilespmem:s1+$0x6FD0] =	vst v3;
	v0 =	vadd.f32 v7, v0  }
0x8f: {  	s10 =	sshll.u32 s28, $0x11;
	s0 =	sadd.s32 s2, s0;
	[tilespmem:s1+$0x6FE0] =	vst v1  }
.Ltmp6:
0x90: {  	s0 =	sadd.s32 s10, s0;
	[tilespmem:s1+$0x6FF0] =	vst v0;
	(pc) =	sbr.rel @p0 .LBB2_12-.Ltmp6, $4  }
0x91: {  	[hbm4b:s0+s4] =	stream.linear.scatter [tilespmem:s17], [sflag:$0x8], $0x2000, $0x38;
	[tilespmem:$0x8FC0] =	vst v63  }
0x92: {  	_ =	swait.ge [sflag:s21], $0x2000  }
0x93: {  	[sflag:s21] =	ssyncset.done $0x0  }
0x94: {  	[sflag:s21] =	ssyncadd.s32 $0xFFFFE000  }
.Ltmp7:
0x95: {  	(pc) =	sbr.rel .LBB2_2-.Ltmp7, $4  }
0x96: {  	_ = 	snop  }
0x97: {  	s0 =	sand.u32 $0x3FFFFE00, s26  }
0x98: {  	s25 =	sadd.s32 $0x1, s25;
	s0 =	sadd.s32 $0x280, s0  }
0x99: {  	[tilespmem:s13], [sflag:$0x2] =	stream.indirect.gather [hbm4b:s6+s11], $0x40, s0, s11, $0xb8;
	[tilespmem:$0x8FC0] =	vst v63  }
.LBB2_13:
0x9a: {  	_ =	sfence.sel $0x180000  }
0x9b: {  	[bflag:$0x0] =	sbarrier.arrive $0xFFFF  }
0x9c: {  	_ =	strace $0x90000047  }
0x9d: {  	s0 =	stileid.u32;
	[bflag:$0x2] =	sbarrier.arrive $0xFFFF  }
0x9e: {  	p0 =	sne.s32 s0, $0x0;
	s0 =	rddreg [dreg:$0x2]  }
0x9f: {  	s0 =	sadd.s32 @!p0 $0x100000, s0  }
0xa0: {  	[sflag:s0] =	ssyncadd.tile.s32 @!p0 $0x1;
	_ =	shalt  }
.Lfunc_end2:
_tile_overlayer_lowered:
.L_overlay_start_2:
0xa1: {  	(tag) =	ssettag $0x2  }
0xa2: {  	s0 =	rddreg [dreg:$0x0];
	s2 =	stileid.u32  }
0xa3: {  	s1 =	rddreg [dreg:$0x1];
	p0 =	sne.s32 s2, $0x0  }
0xa4: {  	s3 =	rddreg [dreg:$0x2];
	[bflag:$0x3] =	sbarrier.arrive $0xFFFF;
	s2 =	simm.s32 @!p0 $0x1C09  }
0xa5: {  	[timem:s3], [sflag:s2] =	dma.local @!p0 [hbm:s0], s1  }
0xa6: {  	s0 =	simm.s32 @!p0 $0x9  }
0xa7: {  	_ =	swait.ge @!p0 [sflag:s0], s1  }
0xa8: {  	s1 =	ssub.s32 @!p0 $0x0, s1;
	[sflag:s0] =	ssyncset.done @!p0 $0x0  }
0xa9: {  	[sflag:s0] =	ssyncadd.s32 @!p0 s1  }
0xaa: {  	[bflag:$0x3] =	sbarrier.arrive $0xFFFF  }
0xab: {  	_ =	shalt  }

</sc_bundles>
